<compile_context>
chip_gen: v7x
topology: tpu7x:2x2x1
jax: 0.10.2.dev20260603
libtpu: 0.0.44.dev20260713+nightly
codegen_flags: <defaults>
</compile_context>

<pallas_src>
import functools

import jax
import jax.numpy as jnp
from jax import lax
from jax.experimental import pallas as pl
from jax.experimental.pallas import tpu as pltpu
from jax.experimental.pallas import tpu_sc as plsc

_NBUF = 4
_NW = 32
_PC = 8
_L = 16
_HALF = 2


def _sc_gather(n, s):
    per_w = n // _NW
    q_per_w = per_w // s
    rows_e = s * _PC
    ch = rows_e // _HALF
    n_ch = q_per_w * _HALF
    mesh = plsc.VectorSubcoreMesh(core_axis_name="c", subcore_axis_name="s")

    @functools.partial(
        pl.kernel,
        mesh=mesh,
        compiler_params=pltpu.CompilerParams(needs_layout_passes=False),
        out_type=jax.ShapeDtypeStruct((n * _PC, 128), jnp.float32),
        scratch_types=[
            pltpu.VMEM((per_w,), jnp.int32),
            pltpu.VMEM((per_w * _PC,), jnp.int32),
            [pltpu.VMEM((ch, 128), jnp.float32)] * _NBUF,
            [pltpu.SemaphoreType.DMA] * _NBUF,
            [pltpu.SemaphoreType.DMA] * _NBUF,
        ],
    )
    def k(idx_hbm, table_hbm, out_hbm, idx_v, idx8_v, bufs, gsems, ssems):
        nc = lax.axis_size("c")
        wid = lax.axis_index("s") * nc + lax.axis_index("c")
        q0 = wid * q_per_w
        pltpu.sync_copy(idx_hbm.at[pl.ds(wid * per_w, per_w)], idx_v)

        lanes = lax.iota(jnp.int32, _L)

        @pl.loop(0, per_w * _PC // _L)
        def expand(vv):
            n_vec = vv * _L + lanes
            g = plsc.load_gather(idx_v, [n_vec >> 3])
            idx8_v[pl.ds(vv * _L, _L)] = g * _PC + (n_vec & 7)

        def gather(c, bf):
            cbase = c * ch
            for off in range(0, ch, 128):
                sz = min(128, ch - off)
                pltpu.async_copy(
                    table_hbm.at[idx8_v.at[pl.ds(cbase + off, sz)]],
                    bufs[bf].at[pl.ds(off, sz)],
                    gsems[bf],
                )

        def scatter(c, bf):
            pltpu.async_copy(
                bufs[bf],
                out_hbm.at[pl.ds(wid * per_w * _PC + c * ch, ch)],
                ssems[bf],
            )

        def gwait(bf):
            pltpu.make_async_copy(
                table_hbm.at[pl.ds(0, ch)], bufs[bf], gsems[bf]
            ).wait()

        def swait(bf):
            pltpu.make_async_copy(
                bufs[bf], out_hbm.at[pl.ds(0, ch)], ssems[bf]
            ).wait()

        for bf in range(_NBUF):
            gather(bf, bf)

        @pl.loop(_NBUF, n_ch, step=_NBUF)
        def body(c0):
            for bf in range(_NBUF):
                gwait(bf)
                scatter(c0 - _NBUF + bf, bf)
            for bf in range(_NBUF):
                swait(bf)
                gather(c0 + bf, bf)

        for bf in range(_NBUF):
            gwait(bf)
            scatter(n_ch - _NBUF + bf, bf)
        for bf in range(_NBUF):
            swait(bf)

    return k


def kernel(x, embedding):
    b, s = x.shape
    v, d = embedding.shape
    table8 = jnp.pad(embedding, ((0, 0), (0, _PC * 128 - d)))
    table8 = table8.reshape(v * _PC, 128)
    staged = _sc_gather(b * s, s)(x.reshape(b * s).astype(jnp.int32), table8)
    return staged.reshape(b, s, _PC * 128)[:, :, :d]

# --- scband reference (transcript-rebuilt; emitter-appended) ---
"""Pipeline reference for scband-bigram-language-model-39376260169905 (READ-ONLY COPY).

The authoritative reference and input builder live on the scoring server;
editing this copy changes nothing except your own understanding.
"""

import jax, jax.numpy as jnp
import numpy as np

VOCAB = 1000

def setup_inputs(seed: int = 0) -> dict:
    key = jax.random.key(seed)
    k_idx, k_emb = jax.random.split(key)
    x = jax.random.randint(k_idx, (1024, 50), 0, VOCAB, dtype=jnp.int64) if jax.config.jax_enable_x64 else jax.random.randint(k_idx, (1024, 50), 0, VOCAB, dtype=jnp.int32)
    embedding = jax.random.normal(k_emb, (VOCAB, VOCAB), dtype=jnp.float32)
    return {"x": x, "embedding": embedding}

def reference(x, embedding):
    # BigramLanguageModel.forward: logits = self.embedding(x)
    # nn.Embedding lookup -> row gather from the table
    return jnp.take(embedding, x, axis=0)

if __name__ == "__main__":
    import jax
    _d = setup_inputs()
    print(jax.jit(kernel)(*tuple(_d.values())))

</pallas_src>

<mosaic_0001>
#map = affine_map<(d0, d1) -> (0)>
#map1 = affine_map<(d0, d1) -> (0, 0)>
module attributes {stable_mosaic.version = 14 : i64} {
  func.func @k(%arg0: i32, %arg1: i32, %arg2: memref<51200xi32, #tpu.memory_space<hbm>>, %arg3: memref<8000x128xf32, #tpu.memory_space<hbm>>, %arg4: memref<409600x128xf32, #tpu.memory_space<hbm>>, %arg5: memref<1600xi32, #tpu.memory_space<vmem>>, %arg6: memref<12800xi32, #tpu.memory_space<vmem>>, %arg7: memref<200x128xf32, #tpu.memory_space<vmem>>, %arg8: memref<200x128xf32, #tpu.memory_space<vmem>>, %arg9: memref<200x128xf32, #tpu.memory_space<vmem>>, %arg10: memref<200x128xf32, #tpu.memory_space<vmem>>, %arg11: memref<!tpu.dma_semaphore, #tpu.memory_space<semaphore_mem>>, %arg12: memref<!tpu.dma_semaphore, #tpu.memory_space<semaphore_mem>>, %arg13: memref<!tpu.dma_semaphore, #tpu.memory_space<semaphore_mem>>, %arg14: memref<!tpu.dma_semaphore, #tpu.memory_space<semaphore_mem>>, %arg15: memref<!tpu.dma_semaphore, #tpu.memory_space<semaphore_mem>>, %arg16: memref<!tpu.dma_semaphore, #tpu.memory_space<semaphore_mem>>, %arg17: memref<!tpu.dma_semaphore, #tpu.memory_space<semaphore_mem>>, %arg18: memref<!tpu.dma_semaphore, #tpu.memory_space<semaphore_mem>>) attributes {dimension_semantics = [#tpu.dimension_semantics<core_parallel>, #tpu.dimension_semantics<subcore_parallel>], iteration_bounds = array<i64: 2, 16>, scalar_prefetch = 0 : i64, scratch_operands = 14 : i64, tpu.core_type = #tpu.core_type<sc_vector_subcore>, window_params = [{transform_indices = #map}, {transform_indices = #map1}, {transform_indices = #map1}]} {
    %mul3A = arith.constant 2 : i32
    %mul3A_0 = arith.muli %arg1, %mul3A : i32
    %add3A = arith.addi %mul3A_0, %arg0 : i32
    %mul3A_1 = arith.constant 32 : i32
    %mul3A_2 = arith.muli %add3A, %mul3A_1 : i32
    %mul3A_3 = arith.constant 1600 : i32
    %mul3A_4 = arith.muli %add3A, %mul3A_3 : i32
    "tpu.region"() ({
      %run_scoped3A = tpu.sem_alloc : memref<!tpu.dma_semaphore, #tpu.memory_space<semaphore_mem>>
      %dma_start3A_164 = tpu.memref_slice %arg2[%mul3A_4] : memref<51200xi32, #tpu.memory_space<hbm>> -> memref<1600xi32, #tpu.memory_space<hbm>>
      %dma_start3A_165 = tpu.memref_slice %arg2[%mul3A_4] : memref<51200xi32, #tpu.memory_space<hbm>> -> memref<1600xi32, #tpu.memory_space<hbm>>
      tpu.enqueue_dma source(%dma_start3A_165 : memref<1600xi32, #tpu.memory_space<hbm>>) target(%arg5 : memref<1600xi32, #tpu.memory_space<vmem>>) target_semaphore(%run_scoped3A : memref<!tpu.dma_semaphore, #tpu.memory_space<semaphore_mem>>)
      %dma_wait3A_166 = tpu.memref_slice %arg2[%mul3A_4] : memref<51200xi32, #tpu.memory_space<hbm>> -> memref<1600xi32, #tpu.memory_space<hbm>>
      %dma_wait3A_167 = tpu.memref_slice %arg2[%mul3A_4] : memref<51200xi32, #tpu.memory_space<hbm>> -> memref<1600xi32, #tpu.memory_space<hbm>>
      tpu.wait_dma2 semaphore(%run_scoped3A : memref<!tpu.dma_semaphore, #tpu.memory_space<semaphore_mem>>) src(%dma_wait3A_167 : memref<1600xi32, #tpu.memory_space<hbm>>) dst(%arg5 : memref<1600xi32, #tpu.memory_space<vmem>>)
      tpu.yield
    }) : () -> ()
    %iota3A = tpu.iota {dimensions = array<i32: 0>} : vector<16xi32>
    %scan3A = arith.constant 0 : i32
    %scan3A_5 = arith.constant 800 : i32
    %scan3A_6 = arith.addi %scan3A, %scan3A_5 : i32
    %scan3A_7 = arith.constant 1 : i32
    scf.for %scan3A_164 = %scan3A to %scan3A_6 step %scan3A_7  : i32 {
      %mul3A_165 = arith.constant 1 : i32
      %mul3A_166 = arith.muli %scan3A_164, %mul3A_165 : i32
      %add3A_167 = arith.constant 0 : i32
      %add3A_168 = arith.addi %add3A_167, %mul3A_166 : i32
      %mul3A_169 = arith.constant 16 : i32
      %mul3A_170 = arith.muli %add3A_168, %mul3A_169 : i32
      %add3A_171 = vector.broadcast %mul3A_170 : i32 to vector<16xi32>
      %add3A_172 = arith.addi %add3A_171, %iota3A : vector<16xi32>
      %shift_right_arithmetic3A = arith.constant 3 : i32
      %shift_right_arithmetic3A_173 = vector.broadcast %shift_right_arithmetic3A : i32 to vector<16xi32>
      %shift_right_arithmetic3A_174 = arith.shrsi %add3A_172, %shift_right_arithmetic3A_173 : vector<16xi32>
      %gather3A = tpu.vector_load_idx %arg5[%shift_right_arithmetic3A_174] : memref<1600xi32, #tpu.memory_space<vmem>>[vector<16xi32>], vector<16xi32>,
      %mul3A_175 = arith.constant 8 : i32
      %mul3A_176 = vector.broadcast %mul3A_175 : i32 to vector<16xi32>
      %mul3A_177 = arith.muli %gather3A, %mul3A_176 : vector<16xi32>
      %and3A = arith.constant 7 : i32
      %and3A_178 = vector.broadcast %and3A : i32 to vector<16xi32>
      %and3A_179 = arith.andi %add3A_172, %and3A_178 : vector<16xi32>
      %add3A_180 = arith.addi %mul3A_177, %and3A_179 : vector<16xi32>
      %mul3A_181 = arith.constant 16 : i32
      %mul3A_182 = arith.muli %add3A_168, %mul3A_181 : i32
      %swap3A = arith.index_cast %mul3A_182 : i32 to index
      %swap3A_183 = tpu.vector_load %arg6[%swap3A] {strides = array<i32>} : memref<12800xi32, #tpu.memory_space<vmem>>, vector<16xi32>,
      tpu.vector_store %arg6[%swap3A], %add3A_180 {strides = array<i32>} : memref<12800xi32, #tpu.memory_space<vmem>>, vector<16xi32>,
    }
    %scan3A_8 = arith.constant 800 : i32
    %dma_start3A = arith.constant 0 : i32
    %dma_start3A_9 = arith.constant 0 : i32
    %dma_start3A_10 = tpu.memref_slice %arg7[%dma_start3A, %dma_start3A_9] : memref<200x128xf32, #tpu.memory_space<vmem>> -> memref<128x128xf32, #tpu.memory_space<vmem>>
    %dma_start3A_11 = arith.constant 0 : i32
    %dma_start3A_12 = tpu.memref_slice %arg6[%dma_start3A_11] : memref<12800xi32, #tpu.memory_space<vmem>> -> memref<128xi32, #tpu.memory_space<vmem>>
    %dma_start3A_13 = arith.constant 0 : i32
    %dma_start3A_14 = arith.constant 0 : i32
    %dma_start3A_15 = tpu.memref_slice %arg3[%dma_start3A_13, %dma_start3A_14] : memref<8000x128xf32, #tpu.memory_space<hbm>> -> memref<8000x128xf32, #tpu.memory_space<hbm>>
    tpu.enqueue_indirect_dma source(%dma_start3A_15 : memref<8000x128xf32, #tpu.memory_space<hbm>>) target(%dma_start3A_10 : memref<128x128xf32, #tpu.memory_space<vmem>>) offsets(%dma_start3A_12 : memref<128xi32, #tpu.memory_space<vmem>>) semaphore(%arg11 : memref<!tpu.dma_semaphore, #tpu.memory_space<semaphore_mem>>)
    %dma_start3A_16 = arith.constant 128 : i32
    %dma_start3A_17 = arith.constant 0 : i32
    %dma_start3A_18 = tpu.memref_slice %arg7[%dma_start3A_16, %dma_start3A_17] : memref<200x128xf32, #tpu.memory_space<vmem>> -> memref<72x128xf32, #tpu.memory_space<vmem>>
    %dma_start3A_19 = arith.constant 128 : i32
    %dma_start3A_20 = tpu.memref_slice %arg6[%dma_start3A_19] : memref<12800xi32, #tpu.memory_space<vmem>> -> memref<72xi32, #tpu.memory_space<vmem>>
    %dma_start3A_21 = arith.constant 0 : i32
    %dma_start3A_22 = arith.constant 0 : i32
    %dma_start3A_23 = tpu.memref_slice %arg3[%dma_start3A_21, %dma_start3A_22] : memref<8000x128xf32, #tpu.memory_space<hbm>> -> memref<8000x128xf32, #tpu.memory_space<hbm>>
    tpu.enqueue_indirect_dma source(%dma_start3A_23 : memref<8000x128xf32, #tpu.memory_space<hbm>>) target(%dma_start3A_18 : memref<72x128xf32, #tpu.memory_space<vmem>>) offsets(%dma_start3A_20 : memref<72xi32, #tpu.memory_space<vmem>>) semaphore(%arg11 : memref<!tpu.dma_semaphore, #tpu.memory_space<semaphore_mem>>)
    %dma_start3A_24 = arith.constant 0 : i32
    %dma_start3A_25 = arith.constant 0 : i32
    %dma_start3A_26 = tpu.memref_slice %arg8[%dma_start3A_24, %dma_start3A_25] : memref<200x128xf32, #tpu.memory_space<vmem>> -> memref<128x128xf32, #tpu.memory_space<vmem>>
    %dma_start3A_27 = arith.constant 200 : i32
    %dma_start3A_28 = tpu.memref_slice %arg6[%dma_start3A_27] : memref<12800xi32, #tpu.memory_space<vmem>> -> memref<128xi32, #tpu.memory_space<vmem>>
    %dma_start3A_29 = arith.constant 0 : i32
    %dma_start3A_30 = arith.constant 0 : i32
    %dma_start3A_31 = tpu.memref_slice %arg3[%dma_start3A_29, %dma_start3A_30] : memref<8000x128xf32, #tpu.memory_space<hbm>> -> memref<8000x128xf32, #tpu.memory_space<hbm>>
    tpu.enqueue_indirect_dma source(%dma_start3A_31 : memref<8000x128xf32, #tpu.memory_space<hbm>>) target(%dma_start3A_26 : memref<128x128xf32, #tpu.memory_space<vmem>>) offsets(%dma_start3A_28 : memref<128xi32, #tpu.memory_space<vmem>>) semaphore(%arg12 : memref<!tpu.dma_semaphore, #tpu.memory_space<semaphore_mem>>)
    %dma_start3A_32 = arith.constant 128 : i32
    %dma_start3A_33 = arith.constant 0 : i32
    %dma_start3A_34 = tpu.memref_slice %arg8[%dma_start3A_32, %dma_start3A_33] : memref<200x128xf32, #tpu.memory_space<vmem>> -> memref<72x128xf32, #tpu.memory_space<vmem>>
    %dma_start3A_35 = arith.constant 328 : i32
    %dma_start3A_36 = tpu.memref_slice %arg6[%dma_start3A_35] : memref<12800xi32, #tpu.memory_space<vmem>> -> memref<72xi32, #tpu.memory_space<vmem>>
    %dma_start3A_37 = arith.constant 0 : i32
    %dma_start3A_38 = arith.constant 0 : i32
    %dma_start3A_39 = tpu.memref_slice %arg3[%dma_start3A_37, %dma_start3A_38] : memref<8000x128xf32, #tpu.memory_space<hbm>> -> memref<8000x128xf32, #tpu.memory_space<hbm>>
    tpu.enqueue_indirect_dma source(%dma_start3A_39 : memref<8000x128xf32, #tpu.memory_space<hbm>>) target(%dma_start3A_34 : memref<72x128xf32, #tpu.memory_space<vmem>>) offsets(%dma_start3A_36 : memref<72xi32, #tpu.memory_space<vmem>>) semaphore(%arg12 : memref<!tpu.dma_semaphore, #tpu.memory_space<semaphore_mem>>)
    %dma_start3A_40 = arith.constant 0 : i32
    %dma_start3A_41 = arith.constant 0 : i32
    %dma_start3A_42 = tpu.memref_slice %arg9[%dma_start3A_40, %dma_start3A_41] : memref<200x128xf32, #tpu.memory_space<vmem>> -> memref<128x128xf32, #tpu.memory_space<vmem>>
    %dma_start3A_43 = arith.constant 400 : i32
    %dma_start3A_44 = tpu.memref_slice %arg6[%dma_start3A_43] : memref<12800xi32, #tpu.memory_space<vmem>> -> memref<128xi32, #tpu.memory_space<vmem>>
    %dma_start3A_45 = arith.constant 0 : i32
    %dma_start3A_46 = arith.constant 0 : i32
    %dma_start3A_47 = tpu.memref_slice %arg3[%dma_start3A_45, %dma_start3A_46] : memref<8000x128xf32, #tpu.memory_space<hbm>> -> memref<8000x128xf32, #tpu.memory_space<hbm>>
    tpu.enqueue_indirect_dma source(%dma_start3A_47 : memref<8000x128xf32, #tpu.memory_space<hbm>>) target(%dma_start3A_42 : memref<128x128xf32, #tpu.memory_space<vmem>>) offsets(%dma_start3A_44 : memref<128xi32, #tpu.memory_space<vmem>>) semaphore(%arg13 : memref<!tpu.dma_semaphore, #tpu.memory_space<semaphore_mem>>)
    %dma_start3A_48 = arith.constant 128 : i32
    %dma_start3A_49 = arith.constant 0 : i32
    %dma_start3A_50 = tpu.memref_slice %arg9[%dma_start3A_48, %dma_start3A_49] : memref<200x128xf32, #tpu.memory_space<vmem>> -> memref<72x128xf32, #tpu.memory_space<vmem>>
    %dma_start3A_51 = arith.constant 528 : i32
    %dma_start3A_52 = tpu.memref_slice %arg6[%dma_start3A_51] : memref<12800xi32, #tpu.memory_space<vmem>> -> memref<72xi32, #tpu.memory_space<vmem>>
    %dma_start3A_53 = arith.constant 0 : i32
    %dma_start3A_54 = arith.constant 0 : i32
    %dma_start3A_55 = tpu.memref_slice %arg3[%dma_start3A_53, %dma_start3A_54] : memref<8000x128xf32, #tpu.memory_space<hbm>> -> memref<8000x128xf32, #tpu.memory_space<hbm>>
    tpu.enqueue_indirect_dma source(%dma_start3A_55 : memref<8000x128xf32, #tpu.memory_space<hbm>>) target(%dma_start3A_50 : memref<72x128xf32, #tpu.memory_space<vmem>>) offsets(%dma_start3A_52 : memref<72xi32, #tpu.memory_space<vmem>>) semaphore(%arg13 : memref<!tpu.dma_semaphore, #tpu.memory_space<semaphore_mem>>)
    %dma_start3A_56 = arith.constant 0 : i32
    %dma_start3A_57 = arith.constant 0 : i32
    %dma_start3A_58 = tpu.memref_slice %arg10[%dma_start3A_56, %dma_start3A_57] : memref<200x128xf32, #tpu.memory_space<vmem>> -> memref<128x128xf32, #tpu.memory_space<vmem>>
    %dma_start3A_59 = arith.constant 600 : i32
    %dma_start3A_60 = tpu.memref_slice %arg6[%dma_start3A_59] : memref<12800xi32, #tpu.memory_space<vmem>> -> memref<128xi32, #tpu.memory_space<vmem>>
    %dma_start3A_61 = arith.constant 0 : i32
    %dma_start3A_62 = arith.constant 0 : i32
    %dma_start3A_63 = tpu.memref_slice %arg3[%dma_start3A_61, %dma_start3A_62] : memref<8000x128xf32, #tpu.memory_space<hbm>> -> memref<8000x128xf32, #tpu.memory_space<hbm>>
    tpu.enqueue_indirect_dma source(%dma_start3A_63 : memref<8000x128xf32, #tpu.memory_space<hbm>>) target(%dma_start3A_58 : memref<128x128xf32, #tpu.memory_space<vmem>>) offsets(%dma_start3A_60 : memref<128xi32, #tpu.memory_space<vmem>>) semaphore(%arg14 : memref<!tpu.dma_semaphore, #tpu.memory_space<semaphore_mem>>)
    %dma_start3A_64 = arith.constant 128 : i32
    %dma_start3A_65 = arith.constant 0 : i32
    %dma_start3A_66 = tpu.memref_slice %arg10[%dma_start3A_64, %dma_start3A_65] : memref<200x128xf32, #tpu.memory_space<vmem>> -> memref<72x128xf32, #tpu.memory_space<vmem>>
    %dma_start3A_67 = arith.constant 728 : i32
    %dma_start3A_68 = tpu.memref_slice %arg6[%dma_start3A_67] : memref<12800xi32, #tpu.memory_space<vmem>> -> memref<72xi32, #tpu.memory_space<vmem>>
    %dma_start3A_69 = arith.constant 0 : i32
    %dma_start3A_70 = arith.constant 0 : i32
    %dma_start3A_71 = tpu.memref_slice %arg3[%dma_start3A_69, %dma_start3A_70] : memref<8000x128xf32, #tpu.memory_space<hbm>> -> memref<8000x128xf32, #tpu.memory_space<hbm>>
    tpu.enqueue_indirect_dma source(%dma_start3A_71 : memref<8000x128xf32, #tpu.memory_space<hbm>>) target(%dma_start3A_66 : memref<72x128xf32, #tpu.memory_space<vmem>>) offsets(%dma_start3A_68 : memref<72xi32, #tpu.memory_space<vmem>>) semaphore(%arg14 : memref<!tpu.dma_semaphore, #tpu.memory_space<semaphore_mem>>)
    %scan3A_72 = arith.constant 0 : i32
    %scan3A_73 = arith.constant 15 : i32
    %scan3A_74 = arith.addi %scan3A_72, %scan3A_73 : i32
    %scan3A_75 = arith.constant 1 : i32
    scf.for %scan3A_164 = %scan3A_72 to %scan3A_74 step %scan3A_75  : i32 {
      %mul3A_165 = arith.constant 4 : i32
      %mul3A_166 = arith.muli %scan3A_164, %mul3A_165 : i32
      %add3A_167 = arith.constant 4 : i32
      %add3A_168 = arith.addi %add3A_167, %mul3A_166 : i32
      %dma_wait3A_169 = arith.constant 0 : i32
      %dma_wait3A_170 = arith.constant 0 : i32
      %dma_wait3A_171 = tpu.memref_slice %arg3[%dma_wait3A_169, %dma_wait3A_170] : memref<8000x128xf32, #tpu.memory_space<hbm>> -> memref<200x128xf32, #tpu.memory_space<hbm>>
      %dma_wait3A_172 = arith.constant 0 : i32
      %dma_wait3A_173 = arith.constant 0 : i32
      %dma_wait3A_174 = tpu.memref_slice %arg3[%dma_wait3A_172, %dma_wait3A_173] : memref<8000x128xf32, #tpu.memory_space<hbm>> -> memref<200x128xf32, #tpu.memory_space<hbm>>
      tpu.wait_dma2 semaphore(%arg11 : memref<!tpu.dma_semaphore, #tpu.memory_space<semaphore_mem>>) src(%dma_wait3A_174 : memref<200x128xf32, #tpu.memory_space<hbm>>) dst(%arg7 : memref<200x128xf32, #tpu.memory_space<vmem>>)
      %sub3A = arith.constant 4 : i32
      %sub3A_175 = arith.subi %add3A_168, %sub3A : i32
      %add3A_176 = arith.constant 0 : i32
      %add3A_177 = arith.addi %sub3A_175, %add3A_176 : i32
      %mul3A_178 = arith.constant 1600 : i32
      %mul3A_179 = arith.muli %add3A, %mul3A_178 : i32
      %mul3A_180 = arith.constant 8 : i32
      %mul3A_181 = arith.muli %mul3A_179, %mul3A_180 : i32
      %mul3A_182 = arith.constant 200 : i32
      %mul3A_183 = arith.muli %add3A_177, %mul3A_182 : i32
      %add3A_184 = arith.addi %mul3A_181, %mul3A_183 : i32
      %dma_start3A_185 = arith.constant 0 : i32
      %dma_start3A_186 = tpu.memref_slice %arg4[%add3A_184, %dma_start3A_185] : memref<409600x128xf32, #tpu.memory_space<hbm>> -> memref<200x128xf32, #tpu.memory_space<hbm>>
      %dma_start3A_187 = arith.constant 0 : i32
      %dma_start3A_188 = tpu.memref_slice %arg4[%add3A_184, %dma_start3A_187] : memref<409600x128xf32, #tpu.memory_space<hbm>> -> memref<200x128xf32, #tpu.memory_space<hbm>>
      tpu.enqueue_dma source(%arg7 : memref<200x128xf32, #tpu.memory_space<vmem>>) target(%dma_start3A_188 : memref<200x128xf32, #tpu.memory_space<hbm>>) target_semaphore(%arg15 : memref<!tpu.dma_semaphore, #tpu.memory_space<semaphore_mem>>)
      %dma_wait3A_189 = arith.constant 0 : i32
      %dma_wait3A_190 = arith.constant 0 : i32
      %dma_wait3A_191 = tpu.memref_slice %arg3[%dma_wait3A_189, %dma_wait3A_190] : memref<8000x128xf32, #tpu.memory_space<hbm>> -> memref<200x128xf32, #tpu.memory_space<hbm>>
      %dma_wait3A_192 = arith.constant 0 : i32
      %dma_wait3A_193 = arith.constant 0 : i32
      %dma_wait3A_194 = tpu.memref_slice %arg3[%dma_wait3A_192, %dma_wait3A_193] : memref<8000x128xf32, #tpu.memory_space<hbm>> -> memref<200x128xf32, #tpu.memory_space<hbm>>
      tpu.wait_dma2 semaphore(%arg12 : memref<!tpu.dma_semaphore, #tpu.memory_space<semaphore_mem>>) src(%dma_wait3A_194 : memref<200x128xf32, #tpu.memory_space<hbm>>) dst(%arg8 : memref<200x128xf32, #tpu.memory_space<vmem>>)
      %sub3A_195 = arith.constant 4 : i32
      %sub3A_196 = arith.subi %add3A_168, %sub3A_195 : i32
      %add3A_197 = arith.constant 1 : i32
      %add3A_198 = arith.addi %sub3A_196, %add3A_197 : i32
      %mul3A_199 = arith.constant 1600 : i32
      %mul3A_200 = arith.muli %add3A, %mul3A_199 : i32
      %mul3A_201 = arith.constant 8 : i32
      %mul3A_202 = arith.muli %mul3A_200, %mul3A_201 : i32
      %mul3A_203 = arith.constant 200 : i32
      %mul3A_204 = arith.muli %add3A_198, %mul3A_203 : i32
      %add3A_205 = arith.addi %mul3A_202, %mul3A_204 : i32
      %dma_start3A_206 = arith.constant 0 : i32
      %dma_start3A_207 = tpu.memref_slice %arg4[%add3A_205, %dma_start3A_206] : memref<409600x128xf32, #tpu.memory_space<hbm>> -> memref<200x128xf32, #tpu.memory_space<hbm>>
      %dma_start3A_208 = arith.constant 0 : i32
      %dma_start3A_209 = tpu.memref_slice %arg4[%add3A_205, %dma_start3A_208] : memref<409600x128xf32, #tpu.memory_space<hbm>> -> memref<200x128xf32, #tpu.memory_space<hbm>>
      tpu.enqueue_dma source(%arg8 : memref<200x128xf32, #tpu.memory_space<vmem>>) target(%dma_start3A_209 : memref<200x128xf32, #tpu.memory_space<hbm>>) target_semaphore(%arg16 : memref<!tpu.dma_semaphore, #tpu.memory_space<semaphore_mem>>)
      %dma_wait3A_210 = arith.constant 0 : i32
      %dma_wait3A_211 = arith.constant 0 : i32
      %dma_wait3A_212 = tpu.memref_slice %arg3[%dma_wait3A_210, %dma_wait3A_211] : memref<8000x128xf32, #tpu.memory_space<hbm>> -> memref<200x128xf32, #tpu.memory_space<hbm>>
      %dma_wait3A_213 = arith.constant 0 : i32
      %dma_wait3A_214 = arith.constant 0 : i32
      %dma_wait3A_215 = tpu.memref_slice %arg3[%dma_wait3A_213, %dma_wait3A_214] : memref<8000x128xf32, #tpu.memory_space<hbm>> -> memref<200x128xf32, #tpu.memory_space<hbm>>
      tpu.wait_dma2 semaphore(%arg13 : memref<!tpu.dma_semaphore, #tpu.memory_space<semaphore_mem>>) src(%dma_wait3A_215 : memref<200x128xf32, #tpu.memory_space<hbm>>) dst(%arg9 : memref<200x128xf32, #tpu.memory_space<vmem>>)
      %sub3A_216 = arith.constant 4 : i32
      %sub3A_217 = arith.subi %add3A_168, %sub3A_216 : i32
      %add3A_218 = arith.constant 2 : i32
      %add3A_219 = arith.addi %sub3A_217, %add3A_218 : i32
      %mul3A_220 = arith.constant 1600 : i32
      %mul3A_221 = arith.muli %add3A, %mul3A_220 : i32
      %mul3A_222 = arith.constant 8 : i32
      %mul3A_223 = arith.muli %mul3A_221, %mul3A_222 : i32
      %mul3A_224 = arith.constant 200 : i32
      %mul3A_225 = arith.muli %add3A_219, %mul3A_224 : i32
      %add3A_226 = arith.addi %mul3A_223, %mul3A_225 : i32
      %dma_start3A_227 = arith.constant 0 : i32
      %dma_start3A_228 = tpu.memref_slice %arg4[%add3A_226, %dma_start3A_227] : memref<409600x128xf32, #tpu.memory_space<hbm>> -> memref<200x128xf32, #tpu.memory_space<hbm>>
      %dma_start3A_229 = arith.constant 0 : i32
      %dma_start3A_230 = tpu.memref_slice %arg4[%add3A_226, %dma_start3A_229] : memref<409600x128xf32, #tpu.memory_space<hbm>> -> memref<200x128xf32, #tpu.memory_space<hbm>>
      tpu.enqueue_dma source(%arg9 : memref<200x128xf32, #tpu.memory_space<vmem>>) target(%dma_start3A_230 : memref<200x128xf32, #tpu.memory_space<hbm>>) target_semaphore(%arg17 : memref<!tpu.dma_semaphore, #tpu.memory_space<semaphore_mem>>)
      %dma_wait3A_231 = arith.constant 0 : i32
      %dma_wait3A_232 = arith.constant 0 : i32
      %dma_wait3A_233 = tpu.memref_slice %arg3[%dma_wait3A_231, %dma_wait3A_232] : memref<8000x128xf32, #tpu.memory_space<hbm>> -> memref<200x128xf32, #tpu.memory_space<hbm>>
      %dma_wait3A_234 = arith.constant 0 : i32
      %dma_wait3A_235 = arith.constant 0 : i32
      %dma_wait3A_236 = tpu.memref_slice %arg3[%dma_wait3A_234, %dma_wait3A_235] : memref<8000x128xf32, #tpu.memory_space<hbm>> -> memref<200x128xf32, #tpu.memory_space<hbm>>
      tpu.wait_dma2 semaphore(%arg14 : memref<!tpu.dma_semaphore, #tpu.memory_space<semaphore_mem>>) src(%dma_wait3A_236 : memref<200x128xf32, #tpu.memory_space<hbm>>) dst(%arg10 : memref<200x128xf32, #tpu.memory_space<vmem>>)
      %sub3A_237 = arith.constant 4 : i32
      %sub3A_238 = arith.subi %add3A_168, %sub3A_237 : i32
      %add3A_239 = arith.constant 3 : i32
      %add3A_240 = arith.addi %sub3A_238, %add3A_239 : i32
      %mul3A_241 = arith.constant 1600 : i32
      %mul3A_242 = arith.muli %add3A, %mul3A_241 : i32
      %mul3A_243 = arith.constant 8 : i32
      %mul3A_244 = arith.muli %mul3A_242, %mul3A_243 : i32
      %mul3A_245 = arith.constant 200 : i32
      %mul3A_246 = arith.muli %add3A_240, %mul3A_245 : i32
      %add3A_247 = arith.addi %mul3A_244, %mul3A_246 : i32
      %dma_start3A_248 = arith.constant 0 : i32
      %dma_start3A_249 = tpu.memref_slice %arg4[%add3A_247, %dma_start3A_248] : memref<409600x128xf32, #tpu.memory_space<hbm>> -> memref<200x128xf32, #tpu.memory_space<hbm>>
      %dma_start3A_250 = arith.constant 0 : i32
      %dma_start3A_251 = tpu.memref_slice %arg4[%add3A_247, %dma_start3A_250] : memref<409600x128xf32, #tpu.memory_space<hbm>> -> memref<200x128xf32, #tpu.memory_space<hbm>>
      tpu.enqueue_dma source(%arg10 : memref<200x128xf32, #tpu.memory_space<vmem>>) target(%dma_start3A_251 : memref<200x128xf32, #tpu.memory_space<hbm>>) target_semaphore(%arg18 : memref<!tpu.dma_semaphore, #tpu.memory_space<semaphore_mem>>)
      %dma_wait3A_252 = arith.constant 0 : i32
      %dma_wait3A_253 = arith.constant 0 : i32
      %dma_wait3A_254 = tpu.memref_slice %arg4[%dma_wait3A_252, %dma_wait3A_253] : memref<409600x128xf32, #tpu.memory_space<hbm>> -> memref<200x128xf32, #tpu.memory_space<hbm>>
      %dma_wait3A_255 = arith.constant 0 : i32
      %dma_wait3A_256 = arith.constant 0 : i32
      %dma_wait3A_257 = tpu.memref_slice %arg4[%dma_wait3A_255, %dma_wait3A_256] : memref<409600x128xf32, #tpu.memory_space<hbm>> -> memref<200x128xf32, #tpu.memory_space<hbm>>
      tpu.wait_dma2 semaphore(%arg15 : memref<!tpu.dma_semaphore, #tpu.memory_space<semaphore_mem>>) src(%arg7 : memref<200x128xf32, #tpu.memory_space<vmem>>) dst(%dma_wait3A_257 : memref<200x128xf32, #tpu.memory_space<hbm>>)
      %add3A_258 = arith.constant 0 : i32
      %add3A_259 = arith.addi %add3A_168, %add3A_258 : i32
      %mul3A_260 = arith.constant 200 : i32
      %mul3A_261 = arith.muli %add3A_259, %mul3A_260 : i32
      %add3A_262 = arith.constant 0 : i32
      %add3A_263 = arith.addi %mul3A_261, %add3A_262 : i32
      %dma_start3A_264 = arith.constant 0 : i32
      %dma_start3A_265 = arith.constant 0 : i32
      %dma_start3A_266 = tpu.memref_slice %arg7[%dma_start3A_264, %dma_start3A_265] : memref<200x128xf32, #tpu.memory_space<vmem>> -> memref<128x128xf32, #tpu.memory_space<vmem>>
      %dma_start3A_267 = tpu.memref_slice %arg6[%add3A_263] : memref<12800xi32, #tpu.memory_space<vmem>> -> memref<128xi32, #tpu.memory_space<vmem>>
      %dma_start3A_268 = arith.constant 0 : i32
      %dma_start3A_269 = arith.constant 0 : i32
      %dma_start3A_270 = tpu.memref_slice %arg3[%dma_start3A_268, %dma_start3A_269] : memref<8000x128xf32, #tpu.memory_space<hbm>> -> memref<8000x128xf32, #tpu.memory_space<hbm>>
      tpu.enqueue_indirect_dma source(%dma_start3A_270 : memref<8000x128xf32, #tpu.memory_space<hbm>>) target(%dma_start3A_266 : memref<128x128xf32, #tpu.memory_space<vmem>>) offsets(%dma_start3A_267 : memref<128xi32, #tpu.memory_space<vmem>>) semaphore(%arg11 : memref<!tpu.dma_semaphore, #tpu.memory_space<semaphore_mem>>)
      %add3A_271 = arith.constant 128 : i32
      %add3A_272 = arith.addi %mul3A_261, %add3A_271 : i32
      %dma_start3A_273 = arith.constant 128 : i32
      %dma_start3A_274 = arith.constant 0 : i32
      %dma_start3A_275 = tpu.memref_slice %arg7[%dma_start3A_273, %dma_start3A_274] : memref<200x128xf32, #tpu.memory_space<vmem>> -> memref<72x128xf32, #tpu.memory_space<vmem>>
      %dma_start3A_276 = tpu.memref_slice %arg6[%add3A_272] : memref<12800xi32, #tpu.memory_space<vmem>> -> memref<72xi32, #tpu.memory_space<vmem>>
      %dma_start3A_277 = arith.constant 0 : i32
      %dma_start3A_278 = arith.constant 0 : i32
      %dma_start3A_279 = tpu.memref_slice %arg3[%dma_start3A_277, %dma_start3A_278] : memref<8000x128xf32, #tpu.memory_space<hbm>> -> memref<8000x128xf32, #tpu.memory_space<hbm>>
      tpu.enqueue_indirect_dma source(%dma_start3A_279 : memref<8000x128xf32, #tpu.memory_space<hbm>>) target(%dma_start3A_275 : memref<72x128xf32, #tpu.memory_space<vmem>>) offsets(%dma_start3A_276 : memref<72xi32, #tpu.memory_space<vmem>>) semaphore(%arg11 : memref<!tpu.dma_semaphore, #tpu.memory_space<semaphore_mem>>)
      %dma_wait3A_280 = arith.constant 0 : i32
      %dma_wait3A_281 = arith.constant 0 : i32
      %dma_wait3A_282 = tpu.memref_slice %arg4[%dma_wait3A_280, %dma_wait3A_281] : memref<409600x128xf32, #tpu.memory_space<hbm>> -> memref<200x128xf32, #tpu.memory_space<hbm>>
      %dma_wait3A_283 = arith.constant 0 : i32
      %dma_wait3A_284 = arith.constant 0 : i32
      %dma_wait3A_285 = tpu.memref_slice %arg4[%dma_wait3A_283, %dma_wait3A_284] : memref<409600x128xf32, #tpu.memory_space<hbm>> -> memref<200x128xf32, #tpu.memory_space<hbm>>
      tpu.wait_dma2 semaphore(%arg16 : memref<!tpu.dma_semaphore, #tpu.memory_space<semaphore_mem>>) src(%arg8 : memref<200x128xf32, #tpu.memory_space<vmem>>) dst(%dma_wait3A_285 : memref<200x128xf32, #tpu.memory_space<hbm>>)
      %add3A_286 = arith.constant 1 : i32
      %add3A_287 = arith.addi %add3A_168, %add3A_286 : i32
      %mul3A_288 = arith.constant 200 : i32
      %mul3A_289 = arith.muli %add3A_287, %mul3A_288 : i32
      %add3A_290 = arith.constant 0 : i32
      %add3A_291 = arith.addi %mul3A_289, %add3A_290 : i32
      %dma_start3A_292 = arith.constant 0 : i32
      %dma_start3A_293 = arith.constant 0 : i32
      %dma_start3A_294 = tpu.memref_slice %arg8[%dma_start3A_292, %dma_start3A_293] : memref<200x128xf32, #tpu.memory_space<vmem>> -> memref<128x128xf32, #tpu.memory_space<vmem>>
      %dma_start3A_295 = tpu.memref_slice %arg6[%add3A_291] : memref<12800xi32, #tpu.memory_space<vmem>> -> memref<128xi32, #tpu.memory_space<vmem>>
      %dma_start3A_296 = arith.constant 0 : i32
      %dma_start3A_297 = arith.constant 0 : i32
      %dma_start3A_298 = tpu.memref_slice %arg3[%dma_start3A_296, %dma_start3A_297] : memref<8000x128xf32, #tpu.memory_space<hbm>> -> memref<8000x128xf32, #tpu.memory_space<hbm>>
      tpu.enqueue_indirect_dma source(%dma_start3A_298 : memref<8000x128xf32, #tpu.memory_space<hbm>>) target(%dma_start3A_294 : memref<128x128xf32, #tpu.memory_space<vmem>>) offsets(%dma_start3A_295 : memref<128xi32, #tpu.memory_space<vmem>>) semaphore(%arg12 : memref<!tpu.dma_semaphore, #tpu.memory_space<semaphore_mem>>)
      %add3A_299 = arith.constant 128 : i32
      %add3A_300 = arith.addi %mul3A_289, %add3A_299 : i32
      %dma_start3A_301 = arith.constant 128 : i32
      %dma_start3A_302 = arith.constant 0 : i32
      %dma_start3A_303 = tpu.memref_slice %arg8[%dma_start3A_301, %dma_start3A_302] : memref<200x128xf32, #tpu.memory_space<vmem>> -> memref<72x128xf32, #tpu.memory_space<vmem>>
      %dma_start3A_304 = tpu.memref_slice %arg6[%add3A_300] : memref<12800xi32, #tpu.memory_space<vmem>> -> memref<72xi32, #tpu.memory_space<vmem>>
      %dma_start3A_305 = arith.constant 0 : i32
      %dma_start3A_306 = arith.constant 0 : i32
      %dma_start3A_307 = tpu.memref_slice %arg3[%dma_start3A_305, %dma_start3A_306] : memref<8000x128xf32, #tpu.memory_space<hbm>> -> memref<8000x128xf32, #tpu.memory_space<hbm>>
      tpu.enqueue_indirect_dma source(%dma_start3A_307 : memref<8000x128xf32, #tpu.memory_space<hbm>>) target(%dma_start3A_303 : memref<72x128xf32, #tpu.memory_space<vmem>>) offsets(%dma_start3A_304 : memref<72xi32, #tpu.memory_space<vmem>>) semaphore(%arg12 : memref<!tpu.dma_semaphore, #tpu.memory_space<semaphore_mem>>)
      %dma_wait3A_308 = arith.constant 0 : i32
      %dma_wait3A_309 = arith.constant 0 : i32
      %dma_wait3A_310 = tpu.memref_slice %arg4[%dma_wait3A_308, %dma_wait3A_309] : memref<409600x128xf32, #tpu.memory_space<hbm>> -> memref<200x128xf32, #tpu.memory_space<hbm>>
      %dma_wait3A_311 = arith.constant 0 : i32
      %dma_wait3A_312 = arith.constant 0 : i32
      %dma_wait3A_313 = tpu.memref_slice %arg4[%dma_wait3A_311, %dma_wait3A_312] : memref<409600x128xf32, #tpu.memory_space<hbm>> -> memref<200x128xf32, #tpu.memory_space<hbm>>
      tpu.wait_dma2 semaphore(%arg17 : memref<!tpu.dma_semaphore, #tpu.memory_space<semaphore_mem>>) src(%arg9 : memref<200x128xf32, #tpu.memory_space<vmem>>) dst(%dma_wait3A_313 : memref<200x128xf32, #tpu.memory_space<hbm>>)
      %add3A_314 = arith.constant 2 : i32
      %add3A_315 = arith.addi %add3A_168, %add3A_314 : i32
      %mul3A_316 = arith.constant 200 : i32
      %mul3A_317 = arith.muli %add3A_315, %mul3A_316 : i32
      %add3A_318 = arith.constant 0 : i32
      %add3A_319 = arith.addi %mul3A_317, %add3A_318 : i32
      %dma_start3A_320 = arith.constant 0 : i32
      %dma_start3A_321 = arith.constant 0 : i32
      %dma_start3A_322 = tpu.memref_slice %arg9[%dma_start3A_320, %dma_start3A_321] : memref<200x128xf32, #tpu.memory_space<vmem>> -> memref<128x128xf32, #tpu.memory_space<vmem>>
      %dma_start3A_323 = tpu.memref_slice %arg6[%add3A_319] : memref<12800xi32, #tpu.memory_space<vmem>> -> memref<128xi32, #tpu.memory_space<vmem>>
      %dma_start3A_324 = arith.constant 0 : i32
      %dma_start3A_325 = arith.constant 0 : i32
      %dma_start3A_326 = tpu.memref_slice %arg3[%dma_start3A_324, %dma_start3A_325] : memref<8000x128xf32, #tpu.memory_space<hbm>> -> memref<8000x128xf32, #tpu.memory_space<hbm>>
      tpu.enqueue_indirect_dma source(%dma_start3A_326 : memref<8000x128xf32, #tpu.memory_space<hbm>>) target(%dma_start3A_322 : memref<128x128xf32, #tpu.memory_space<vmem>>) offsets(%dma_start3A_323 : memref<128xi32, #tpu.memory_space<vmem>>) semaphore(%arg13 : memref<!tpu.dma_semaphore, #tpu.memory_space<semaphore_mem>>)
      %add3A_327 = arith.constant 128 : i32
      %add3A_328 = arith.addi %mul3A_317, %add3A_327 : i32
      %dma_start3A_329 = arith.constant 128 : i32
      %dma_start3A_330 = arith.constant 0 : i32
      %dma_start3A_331 = tpu.memref_slice %arg9[%dma_start3A_329, %dma_start3A_330] : memref<200x128xf32, #tpu.memory_space<vmem>> -> memref<72x128xf32, #tpu.memory_space<vmem>>
      %dma_start3A_332 = tpu.memref_slice %arg6[%add3A_328] : memref<12800xi32, #tpu.memory_space<vmem>> -> memref<72xi32, #tpu.memory_space<vmem>>
      %dma_start3A_333 = arith.constant 0 : i32
      %dma_start3A_334 = arith.constant 0 : i32
      %dma_start3A_335 = tpu.memref_slice %arg3[%dma_start3A_333, %dma_start3A_334] : memref<8000x128xf32, #tpu.memory_space<hbm>> -> memref<8000x128xf32, #tpu.memory_space<hbm>>
      tpu.enqueue_indirect_dma source(%dma_start3A_335 : memref<8000x128xf32, #tpu.memory_space<hbm>>) target(%dma_start3A_331 : memref<72x128xf32, #tpu.memory_space<vmem>>) offsets(%dma_start3A_332 : memref<72xi32, #tpu.memory_space<vmem>>) semaphore(%arg13 : memref<!tpu.dma_semaphore, #tpu.memory_space<semaphore_mem>>)
      %dma_wait3A_336 = arith.constant 0 : i32
      %dma_wait3A_337 = arith.constant 0 : i32
      %dma_wait3A_338 = tpu.memref_slice %arg4[%dma_wait3A_336, %dma_wait3A_337] : memref<409600x128xf32, #tpu.memory_space<hbm>> -> memref<200x128xf32, #tpu.memory_space<hbm>>
      %dma_wait3A_339 = arith.constant 0 : i32
      %dma_wait3A_340 = arith.constant 0 : i32
      %dma_wait3A_341 = tpu.memref_slice %arg4[%dma_wait3A_339, %dma_wait3A_340] : memref<409600x128xf32, #tpu.memory_space<hbm>> -> memref<200x128xf32, #tpu.memory_space<hbm>>
      tpu.wait_dma2 semaphore(%arg18 : memref<!tpu.dma_semaphore, #tpu.memory_space<semaphore_mem>>) src(%arg10 : memref<200x128xf32, #tpu.memory_space<vmem>>) dst(%dma_wait3A_341 : memref<200x128xf32, #tpu.memory_space<hbm>>)
      %add3A_342 = arith.constant 3 : i32
      %add3A_343 = arith.addi %add3A_168, %add3A_342 : i32
      %mul3A_344 = arith.constant 200 : i32
      %mul3A_345 = arith.muli %add3A_343, %mul3A_344 : i32
      %add3A_346 = arith.constant 0 : i32
      %add3A_347 = arith.addi %mul3A_345, %add3A_346 : i32
      %dma_start3A_348 = arith.constant 0 : i32
      %dma_start3A_349 = arith.constant 0 : i32
      %dma_start3A_350 = tpu.memref_slice %arg10[%dma_start3A_348, %dma_start3A_349] : memref<200x128xf32, #tpu.memory_space<vmem>> -> memref<128x128xf32, #tpu.memory_space<vmem>>
      %dma_start3A_351 = tpu.memref_slice %arg6[%add3A_347] : memref<12800xi32, #tpu.memory_space<vmem>> -> memref<128xi32, #tpu.memory_space<vmem>>
      %dma_start3A_352 = arith.constant 0 : i32
      %dma_start3A_353 = arith.constant 0 : i32
      %dma_start3A_354 = tpu.memref_slice %arg3[%dma_start3A_352, %dma_start3A_353] : memref<8000x128xf32, #tpu.memory_space<hbm>> -> memref<8000x128xf32, #tpu.memory_space<hbm>>
      tpu.enqueue_indirect_dma source(%dma_start3A_354 : memref<8000x128xf32, #tpu.memory_space<hbm>>) target(%dma_start3A_350 : memref<128x128xf32, #tpu.memory_space<vmem>>) offsets(%dma_start3A_351 : memref<128xi32, #tpu.memory_space<vmem>>) semaphore(%arg14 : memref<!tpu.dma_semaphore, #tpu.memory_space<semaphore_mem>>)
      %add3A_355 = arith.constant 128 : i32
      %add3A_356 = arith.addi %mul3A_345, %add3A_355 : i32
      %dma_start3A_357 = arith.constant 128 : i32
      %dma_start3A_358 = arith.constant 0 : i32
      %dma_start3A_359 = tpu.memref_slice %arg10[%dma_start3A_357, %dma_start3A_358] : memref<200x128xf32, #tpu.memory_space<vmem>> -> memref<72x128xf32, #tpu.memory_space<vmem>>
      %dma_start3A_360 = tpu.memref_slice %arg6[%add3A_356] : memref<12800xi32, #tpu.memory_space<vmem>> -> memref<72xi32, #tpu.memory_space<vmem>>
      %dma_start3A_361 = arith.constant 0 : i32
      %dma_start3A_362 = arith.constant 0 : i32
      %dma_start3A_363 = tpu.memref_slice %arg3[%dma_start3A_361, %dma_start3A_362] : memref<8000x128xf32, #tpu.memory_space<hbm>> -> memref<8000x128xf32, #tpu.memory_space<hbm>>
      tpu.enqueue_indirect_dma source(%dma_start3A_363 : memref<8000x128xf32, #tpu.memory_space<hbm>>) target(%dma_start3A_359 : memref<72x128xf32, #tpu.memory_space<vmem>>) offsets(%dma_start3A_360 : memref<72xi32, #tpu.memory_space<vmem>>) semaphore(%arg14 : memref<!tpu.dma_semaphore, #tpu.memory_space<semaphore_mem>>)
    }
    %scan3A_76 = arith.constant 15 : i32
    %dma_wait3A = arith.constant 0 : i32
    %dma_wait3A_77 = arith.constant 0 : i32
    %dma_wait3A_78 = tpu.memref_slice %arg3[%dma_wait3A, %dma_wait3A_77] : memref<8000x128xf32, #tpu.memory_space<hbm>> -> memref<200x128xf32, #tpu.memory_space<hbm>>
    %dma_wait3A_79 = arith.constant 0 : i32
    %dma_wait3A_80 = arith.constant 0 : i32
    %dma_wait3A_81 = tpu.memref_slice %arg3[%dma_wait3A_79, %dma_wait3A_80] : memref<8000x128xf32, #tpu.memory_space<hbm>> -> memref<200x128xf32, #tpu.memory_space<hbm>>
    tpu.wait_dma2 semaphore(%arg11 : memref<!tpu.dma_semaphore, #tpu.memory_space<semaphore_mem>>) src(%dma_wait3A_81 : memref<200x128xf32, #tpu.memory_space<hbm>>) dst(%arg7 : memref<200x128xf32, #tpu.memory_space<vmem>>)
    %mul3A_82 = arith.constant 1600 : i32
    %mul3A_83 = arith.muli %add3A, %mul3A_82 : i32
    %mul3A_84 = arith.constant 8 : i32
    %mul3A_85 = arith.muli %mul3A_83, %mul3A_84 : i32
    %add3A_86 = arith.constant 12000 : i32
    %add3A_87 = arith.addi %mul3A_85, %add3A_86 : i32
    %dma_start3A_88 = arith.constant 0 : i32
    %dma_start3A_89 = tpu.memref_slice %arg4[%add3A_87, %dma_start3A_88] : memref<409600x128xf32, #tpu.memory_space<hbm>> -> memref<200x128xf32, #tpu.memory_space<hbm>>
    %dma_start3A_90 = arith.constant 0 : i32
    %dma_start3A_91 = tpu.memref_slice %arg4[%add3A_87, %dma_start3A_90] : memref<409600x128xf32, #tpu.memory_space<hbm>> -> memref<200x128xf32, #tpu.memory_space<hbm>>
    tpu.enqueue_dma source(%arg7 : memref<200x128xf32, #tpu.memory_space<vmem>>) target(%dma_start3A_91 : memref<200x128xf32, #tpu.memory_space<hbm>>) target_semaphore(%arg15 : memref<!tpu.dma_semaphore, #tpu.memory_space<semaphore_mem>>)
    %dma_wait3A_92 = arith.constant 0 : i32
    %dma_wait3A_93 = arith.constant 0 : i32
    %dma_wait3A_94 = tpu.memref_slice %arg3[%dma_wait3A_92, %dma_wait3A_93] : memref<8000x128xf32, #tpu.memory_space<hbm>> -> memref<200x128xf32, #tpu.memory_space<hbm>>
    %dma_wait3A_95 = arith.constant 0 : i32
    %dma_wait3A_96 = arith.constant 0 : i32
    %dma_wait3A_97 = tpu.memref_slice %arg3[%dma_wait3A_95, %dma_wait3A_96] : memref<8000x128xf32, #tpu.memory_space<hbm>> -> memref<200x128xf32, #tpu.memory_space<hbm>>
    tpu.wait_dma2 semaphore(%arg12 : memref<!tpu.dma_semaphore, #tpu.memory_space<semaphore_mem>>) src(%dma_wait3A_97 : memref<200x128xf32, #tpu.memory_space<hbm>>) dst(%arg8 : memref<200x128xf32, #tpu.memory_space<vmem>>)
    %mul3A_98 = arith.constant 1600 : i32
    %mul3A_99 = arith.muli %add3A, %mul3A_98 : i32
    %mul3A_100 = arith.constant 8 : i32
    %mul3A_101 = arith.muli %mul3A_99, %mul3A_100 : i32
    %add3A_102 = arith.constant 12200 : i32
    %add3A_103 = arith.addi %mul3A_101, %add3A_102 : i32
    %dma_start3A_104 = arith.constant 0 : i32
    %dma_start3A_105 = tpu.memref_slice %arg4[%add3A_103, %dma_start3A_104] : memref<409600x128xf32, #tpu.memory_space<hbm>> -> memref<200x128xf32, #tpu.memory_space<hbm>>
    %dma_start3A_106 = arith.constant 0 : i32
    %dma_start3A_107 = tpu.memref_slice %arg4[%add3A_103, %dma_start3A_106] : memref<409600x128xf32, #tpu.memory_space<hbm>> -> memref<200x128xf32, #tpu.memory_space<hbm>>
    tpu.enqueue_dma source(%arg8 : memref<200x128xf32, #tpu.memory_space<vmem>>) target(%dma_start3A_107 : memref<200x128xf32, #tpu.memory_space<hbm>>) target_semaphore(%arg16 : memref<!tpu.dma_semaphore, #tpu.memory_space<semaphore_mem>>)
    %dma_wait3A_108 = arith.constant 0 : i32
    %dma_wait3A_109 = arith.constant 0 : i32
    %dma_wait3A_110 = tpu.memref_slice %arg3[%dma_wait3A_108, %dma_wait3A_109] : memref<8000x128xf32, #tpu.memory_space<hbm>> -> memref<200x128xf32, #tpu.memory_space<hbm>>
    %dma_wait3A_111 = arith.constant 0 : i32
    %dma_wait3A_112 = arith.constant 0 : i32
    %dma_wait3A_113 = tpu.memref_slice %arg3[%dma_wait3A_111, %dma_wait3A_112] : memref<8000x128xf32, #tpu.memory_space<hbm>> -> memref<200x128xf32, #tpu.memory_space<hbm>>
    tpu.wait_dma2 semaphore(%arg13 : memref<!tpu.dma_semaphore, #tpu.memory_space<semaphore_mem>>) src(%dma_wait3A_113 : memref<200x128xf32, #tpu.memory_space<hbm>>) dst(%arg9 : memref<200x128xf32, #tpu.memory_space<vmem>>)
    %mul3A_114 = arith.constant 1600 : i32
    %mul3A_115 = arith.muli %add3A, %mul3A_114 : i32
    %mul3A_116 = arith.constant 8 : i32
    %mul3A_117 = arith.muli %mul3A_115, %mul3A_116 : i32
    %add3A_118 = arith.constant 12400 : i32
    %add3A_119 = arith.addi %mul3A_117, %add3A_118 : i32
    %dma_start3A_120 = arith.constant 0 : i32
    %dma_start3A_121 = tpu.memref_slice %arg4[%add3A_119, %dma_start3A_120] : memref<409600x128xf32, #tpu.memory_space<hbm>> -> memref<200x128xf32, #tpu.memory_space<hbm>>
    %dma_start3A_122 = arith.constant 0 : i32
    %dma_start3A_123 = tpu.memref_slice %arg4[%add3A_119, %dma_start3A_122] : memref<409600x128xf32, #tpu.memory_space<hbm>> -> memref<200x128xf32, #tpu.memory_space<hbm>>
    tpu.enqueue_dma source(%arg9 : memref<200x128xf32, #tpu.memory_space<vmem>>) target(%dma_start3A_123 : memref<200x128xf32, #tpu.memory_space<hbm>>) target_semaphore(%arg17 : memref<!tpu.dma_semaphore, #tpu.memory_space<semaphore_mem>>)
    %dma_wait3A_124 = arith.constant 0 : i32
    %dma_wait3A_125 = arith.constant 0 : i32
    %dma_wait3A_126 = tpu.memref_slice %arg3[%dma_wait3A_124, %dma_wait3A_125] : memref<8000x128xf32, #tpu.memory_space<hbm>> -> memref<200x128xf32, #tpu.memory_space<hbm>>
    %dma_wait3A_127 = arith.constant 0 : i32
    %dma_wait3A_128 = arith.constant 0 : i32
    %dma_wait3A_129 = tpu.memref_slice %arg3[%dma_wait3A_127, %dma_wait3A_128] : memref<8000x128xf32, #tpu.memory_space<hbm>> -> memref<200x128xf32, #tpu.memory_space<hbm>>
    tpu.wait_dma2 semaphore(%arg14 : memref<!tpu.dma_semaphore, #tpu.memory_space<semaphore_mem>>) src(%dma_wait3A_129 : memref<200x128xf32, #tpu.memory_space<hbm>>) dst(%arg10 : memref<200x128xf32, #tpu.memory_space<vmem>>)
    %mul3A_130 = arith.constant 1600 : i32
    %mul3A_131 = arith.muli %add3A, %mul3A_130 : i32
    %mul3A_132 = arith.constant 8 : i32
    %mul3A_133 = arith.muli %mul3A_131, %mul3A_132 : i32
    %add3A_134 = arith.constant 12600 : i32
    %add3A_135 = arith.addi %mul3A_133, %add3A_134 : i32
    %dma_start3A_136 = arith.constant 0 : i32
    %dma_start3A_137 = tpu.memref_slice %arg4[%add3A_135, %dma_start3A_136] : memref<409600x128xf32, #tpu.memory_space<hbm>> -> memref<200x128xf32, #tpu.memory_space<hbm>>
    %dma_start3A_138 = arith.constant 0 : i32
    %dma_start3A_139 = tpu.memref_slice %arg4[%add3A_135, %dma_start3A_138] : memref<409600x128xf32, #tpu.memory_space<hbm>> -> memref<200x128xf32, #tpu.memory_space<hbm>>
    tpu.enqueue_dma source(%arg10 : memref<200x128xf32, #tpu.memory_space<vmem>>) target(%dma_start3A_139 : memref<200x128xf32, #tpu.memory_space<hbm>>) target_semaphore(%arg18 : memref<!tpu.dma_semaphore, #tpu.memory_space<semaphore_mem>>)
    %dma_wait3A_140 = arith.constant 0 : i32
    %dma_wait3A_141 = arith.constant 0 : i32
    %dma_wait3A_142 = tpu.memref_slice %arg4[%dma_wait3A_140, %dma_wait3A_141] : memref<409600x128xf32, #tpu.memory_space<hbm>> -> memref<200x128xf32, #tpu.memory_space<hbm>>
    %dma_wait3A_143 = arith.constant 0 : i32
    %dma_wait3A_144 = arith.constant 0 : i32
    %dma_wait3A_145 = tpu.memref_slice %arg4[%dma_wait3A_143, %dma_wait3A_144] : memref<409600x128xf32, #tpu.memory_space<hbm>> -> memref<200x128xf32, #tpu.memory_space<hbm>>
    tpu.wait_dma2 semaphore(%arg15 : memref<!tpu.dma_semaphore, #tpu.memory_space<semaphore_mem>>) src(%arg7 : memref<200x128xf32, #tpu.memory_space<vmem>>) dst(%dma_wait3A_145 : memref<200x128xf32, #tpu.memory_space<hbm>>)
    %dma_wait3A_146 = arith.constant 0 : i32
    %dma_wait3A_147 = arith.constant 0 : i32
    %dma_wait3A_148 = tpu.memref_slice %arg4[%dma_wait3A_146, %dma_wait3A_147] : memref<409600x128xf32, #tpu.memory_space<hbm>> -> memref<200x128xf32, #tpu.memory_space<hbm>>
    %dma_wait3A_149 = arith.constant 0 : i32
    %dma_wait3A_150 = arith.constant 0 : i32
    %dma_wait3A_151 = tpu.memref_slice %arg4[%dma_wait3A_149, %dma_wait3A_150] : memref<409600x128xf32, #tpu.memory_space<hbm>> -> memref<200x128xf32, #tpu.memory_space<hbm>>
    tpu.wait_dma2 semaphore(%arg16 : memref<!tpu.dma_semaphore, #tpu.memory_space<semaphore_mem>>) src(%arg8 : memref<200x128xf32, #tpu.memory_space<vmem>>) dst(%dma_wait3A_151 : memref<200x128xf32, #tpu.memory_space<hbm>>)
    %dma_wait3A_152 = arith.constant 0 : i32
    %dma_wait3A_153 = arith.constant 0 : i32
    %dma_wait3A_154 = tpu.memref_slice %arg4[%dma_wait3A_152, %dma_wait3A_153] : memref<409600x128xf32, #tpu.memory_space<hbm>> -> memref<200x128xf32, #tpu.memory_space<hbm>>
    %dma_wait3A_155 = arith.constant 0 : i32
    %dma_wait3A_156 = arith.constant 0 : i32
    %dma_wait3A_157 = tpu.memref_slice %arg4[%dma_wait3A_155, %dma_wait3A_156] : memref<409600x128xf32, #tpu.memory_space<hbm>> -> memref<200x128xf32, #tpu.memory_space<hbm>>
    tpu.wait_dma2 semaphore(%arg17 : memref<!tpu.dma_semaphore, #tpu.memory_space<semaphore_mem>>) src(%arg9 : memref<200x128xf32, #tpu.memory_space<vmem>>) dst(%dma_wait3A_157 : memref<200x128xf32, #tpu.memory_space<hbm>>)
    %dma_wait3A_158 = arith.constant 0 : i32
    %dma_wait3A_159 = arith.constant 0 : i32
    %dma_wait3A_160 = tpu.memref_slice %arg4[%dma_wait3A_158, %dma_wait3A_159] : memref<409600x128xf32, #tpu.memory_space<hbm>> -> memref<200x128xf32, #tpu.memory_space<hbm>>
    %dma_wait3A_161 = arith.constant 0 : i32
    %dma_wait3A_162 = arith.constant 0 : i32
    %dma_wait3A_163 = tpu.memref_slice %arg4[%dma_wait3A_161, %dma_wait3A_162] : memref<409600x128xf32, #tpu.memory_space<hbm>> -> memref<200x128xf32, #tpu.memory_space<hbm>>
    tpu.wait_dma2 semaphore(%arg18 : memref<!tpu.dma_semaphore, #tpu.memory_space<semaphore_mem>>) src(%arg10 : memref<200x128xf32, #tpu.memory_space<vmem>>) dst(%dma_wait3A_163 : memref<200x128xf32, #tpu.memory_space<hbm>>)
    return
  }
}

</mosaic_0001>

<sc_bundles>
// kernel: kernel.3.cloned.1.call-start
scs
__scs_entry_jumppad:
0x0: {  	(pc) =	sbr.rel $0x88, $3  }
0x1: {  	(tag) =	ssettag $0x0;
	lr =	simm.s32 $0x1  }
0x2: {  	[smem:$0x3F9F] =	sst lr;
	_ =	strace $0xD0000000  }
0x3: {  	_ = 	snop  }
0x4: {  	_ = 	snop  }
0x5: {  	_ = 	snop  }
0x6: {  	_ = 	snop  }
0x7: {  	_ = 	snop  }
__scs_overlays_trampoline_lowered:
0x8: {  	[smem:$0x3FAE] =	sst s0  }
0x9: {  	[smem:$0x3FAF] =	sst s1  }
0xa: {  	[smem:$0x3FB0] =	sst s2  }
0xb: {  	[smem:$0x3FB1] =	sst s3  }
0xc: {  	[smem:$0x3FB2] =	sst s4  }
0xd: {  	[smem:$0x3FB3] =	sst s5  }
0xe: {  	[smem:$0x3FB4] =	sst s6  }
0xf: {  	[smem:$0x3FB5] =	sst s7  }
0x10: {  	[smem:$0x3FB6] =	sst s8  }
0x11: {  	[smem:$0x3FB7] =	sst s9;
	s0 =	simm.s32 @!p0 $0x0  }
0x12: {  	s1 =	sld [smem:$0x3F9D];
	s0 =	simm.s32 @p0 $0x1  }
0x13: {  	[smem:$0x3FB8] =	sst s0;
	s0 =	simm.s32 @!p1 $0x0  }
0x14: {  	s2 =	sld [smem:$0x3F9C];
	s0 =	simm.s32 @p1 $0x1  }
0x15: {  	[smem:$0x3FB9] =	sst s0;
	s0 =	simm.s32 @!p2 $0x0  }
0x16: {  	s3 =	sld [smem:$0x3FDB];
	s0 =	simm.s32 @p2 $0x1  }
0x17: {  	s4 =	simm.s32 $0x1BF5;
	[smem:$0x3FBB] =	sst s0  }
0x18: {  	s0 =	sld [smem:$0x3F9E];
	_ =	swait.ge [sflag:s4], $0x0  }
0x19: {  	s7 =	sld [smem:$0x3F9F]  }
0x1a: {  	s8 =	sadd.s32 $0xFFFFE003, lr  }
0x1b: {  	s9 =	sadd.s32 $0xFFFFFEF7, lr;
	s5 =	simm.s32 $0xFFFFFFFF;
	p2 =	slt.u32 s8, $0xFFFFF086  }
0x1c: {  	p1 =	slt.u32 s9, $0xF7A;
	s5 =	simm.s32 @!p2 $0x0  }
0x1d: {  	s5 =	simm.s32 @p1 $0x1;
	p0 =	seq.s32 s7, s2  }
0x1e: {  	s7 =	smul.u32 @!p0 $0xF7A, s2;
	p2 =	seq.s32 @!p0 s5, $0x0  }
0x1f: {  	s9 =	smul.u32 $0xF7A, s1;
	s8 =	simm.s32 @!p0 $0x1BF5;
	p2 =	por !p2, p0  }
0x20: {  	[sflag:s8] =	ssyncset.s32 @!p0 $0xFFFFF086;
	s6 =	sadd.s32 @!p0 s3, s7;
	s7 =	simm.s32 @!p0 $0x108  }
0x21: {  	s3 =	sadd.s32 s3, s9;
	s6 =	sadd.s32 @!p0 $0x88, s6;
	s7 =	simm.s32 @p2 $0x1082  }
0x22: {  	[simem:s7], [sflag:s8] =	dma.local @!p0 [hbm:s6], $0xF7A  }
0x23: {  	s9 =	sor.u32 $0xD0000000, s2;
	s6 =	simm.s32 $0x108;
	_ =	swait.ge @!p0 [sflag:s8], $0x0  }
0x24: {  	s3 =	sadd.s32 $0x88, s3;
	s6 =	simm.s32 @!p1 $0x1082;
	[sflag:s4] =	ssyncset.s32 $0xFFFFF086  }
0x25: {  	[simem:s6], [sflag:s4] =	dma.local [hbm:s3], $0xF7A  }
0x26: {  	[smem:$0x3F9F] =	sst s1;
	(tag) =	ssettag s2;
	_ =	strace s9  }
0x27: {  	s1 =	sld [smem:$0x3FAF]  }
0x28: {  	s2 =	sld [smem:$0x3FB0]  }
0x29: {  	s4 =	sld [smem:$0x3FB2]  }
0x2a: {  	p0 =	seq.s32 s5, $0x0;
	s5 =	sld [smem:$0x3FB3]  }
0x2b: {  	s6 =	sld [smem:$0x3FB4]  }
0x2c: {  	s7 =	sld [smem:$0x3FB5]  }
0x2d: {  	s3 =	simm.s32 $0x108;
	s8 =	sld [smem:$0x3FB6]  }
0x2e: {  	s3 =	simm.s32 @!p0 $0x1082;
	s9 =	sld [smem:$0x3FB7]  }
0x2f: {  	lr =	sadd.s32 s0, s3;
	s0 =	sld [smem:$0x3FAE]  }
0x30: {  	s3 =	sld [smem:$0x3FB1]  }
0x31: {  	[smem:$0x3FBA] =	sst s10  }
0x32: {  	s10 =	sld [smem:$0x3FB8];
	_ =	sdelay $0x3  }
0x33: {  	p0 =	seq.s32 s10, $0x1;
	s10 =	sld [smem:$0x3FBA];
	_ =	sdelay $0x3  }
0x34: {  	[smem:$0x3FBA] =	sst s10  }
0x35: {  	s10 =	sld [smem:$0x3FB9];
	_ =	sdelay $0x3  }
0x36: {  	p1 =	seq.s32 s10, $0x1;
	s10 =	sld [smem:$0x3FBA];
	_ =	sdelay $0x3  }
0x37: {  	[smem:$0x3FBA] =	sst s10  }
0x38: {  	s10 =	sld [smem:$0x3FBB]  }
0x39: {  	_ = 	snop;
	(pc) =	sbr.ind lr, $3  }
0x3a: {  	_ = 	snop  }
0x3b: {  	_ = 	snop  }
0x3c: {  	p2 =	seq.s32 s10, $0x1;
	s10 =	sld [smem:$0x3FBA]  }
0x3d: {  	_ =	shalt  }
0x3e: {  	_ =	shalt  }
0x3f: {  	_ =	shalt  }
0x40: {  	_ =	shalt  }
0x41: {  	_ =	shalt  }
0x42: {  	_ =	shalt  }
0x43: {  	_ =	shalt  }
0x44: {  	_ =	shalt  }
0x45: {  	_ =	shalt  }
0x46: {  	_ =	shalt  }
0x47: {  	_ =	shalt  }
0x48: {  	_ =	shalt  }
0x49: {  	_ =	shalt  }
0x4a: {  	_ =	shalt  }
0x4b: {  	_ =	shalt  }
0x4c: {  	_ =	shalt  }
0x4d: {  	_ =	shalt  }
0x4e: {  	_ =	shalt  }
0x4f: {  	_ =	shalt  }
0x50: {  	_ =	shalt  }
0x51: {  	_ =	shalt  }
0x52: {  	_ =	shalt  }
0x53: {  	_ =	shalt  }
0x54: {  	_ =	shalt  }
0x55: {  	_ =	shalt  }
0x56: {  	_ =	shalt  }
0x57: {  	_ =	shalt  }
0x58: {  	_ =	shalt  }
0x59: {  	_ =	shalt  }
0x5a: {  	_ =	shalt  }
0x5b: {  	_ =	shalt  }
0x5c: {  	_ =	shalt  }
0x5d: {  	_ =	shalt  }
0x5e: {  	_ =	shalt  }
0x5f: {  	_ =	shalt  }
0x60: {  	_ =	shalt  }
0x61: {  	_ =	shalt  }
0x62: {  	_ =	shalt  }
0x63: {  	_ =	shalt  }
0x64: {  	_ =	shalt  }
0x65: {  	_ =	shalt  }
0x66: {  	_ =	shalt  }
0x67: {  	_ =	shalt  }
0x68: {  	_ =	shalt  }
0x69: {  	_ =	shalt  }
0x6a: {  	_ =	shalt  }
0x6b: {  	_ =	shalt  }
0x6c: {  	_ =	shalt  }
0x6d: {  	_ =	shalt  }
0x6e: {  	_ =	shalt  }
0x6f: {  	_ =	shalt  }
0x70: {  	_ =	shalt  }
0x71: {  	_ =	shalt  }
0x72: {  	_ =	shalt  }
0x73: {  	_ =	shalt  }
0x74: {  	_ =	shalt  }
0x75: {  	_ =	shalt  }
0x76: {  	_ =	shalt  }
0x77: {  	_ =	shalt  }
0x78: {  	_ =	shalt  }
0x79: {  	_ =	shalt  }
0x7a: {  	_ =	shalt  }
0x7b: {  	_ =	shalt  }
0x7c: {  	_ =	shalt  }
0x7d: {  	_ =	shalt  }
0x7e: {  	_ =	shalt  }
0x7f: {  	_ =	shalt  }
0x80: {  	_ =	shalt  }
0x81: {  	_ =	shalt  }
0x82: {  	_ =	shalt  }
0x83: {  	_ =	shalt  }
0x84: {  	_ =	shalt  }
0x85: {  	_ =	shalt  }
0x86: {  	_ =	shalt  }
0x87: {  	_ =	shalt  }
.Lfunc_end0:
.L_simem_size_0:
called_computation.1_lowered:
.L_overlay_start_0:
0x88: {  	s2 =	sld [smem:$0x3FD9]  }
0x89: {  	s3 =	sld [smem:$0x3FFE];
	_ =	sdelay $0x1  }
0x8a: {  	s1 =	srdreg.scid  }
0x8b: {  	s0 =	sand.u32 $0x1, s1  }
0x8c: {  	s17 =	sshll.u32 s0, $0xA;
	s2 =	sadd.s32 s3, s2  }
0x8d: {  	s2 =	sadd.s32 s2, s17  }
0x8e: {  	[smem:$0x3FC6] =	sst s2  }
0x8f: {  	_ = 	snop  }
0x90: {  	s2 =	sld [smem:$0x3FD0];
	(tm) =	ssettm $0x1  }
0x91: {  	s18 =	sld [smem:$0x3FFB];
	_ =	sdelay $0x3  }
0x92: {  	_ =	strace s18  }
0x93: {  	s3 =	sld [smem:$0x3FFC];
	_ =	sdelay $0x3  }
0x94: {  	_ =	strace s3  }
0x95: {  	s3 =	sld [smem:$0x3FFD];
	_ =	sdelay $0x3  }
0x96: {  	_ =	strace s3  }
0x97: {  	_ =	strace $0x8FFFFFFF  }
0x98: {  	s19 =	sld [smem:$0x3FDB];
	_ =	sdelay $0x1  }
0x99: {  	s4 =	simm.s32 $_scs_section_size  }
0x9a: {  	s5 =	simm.s32 $_size__tile_overlayer_lowered;
	s6 =	simm.s32 $_tile_overlayer_lowered  }
0x9b: {  	s22 =	simm.s32 $0x1BFF;
	s21 =	sshll.u32 s6, $0x1;
	s3 =	sadd.s32 s4, s19  }
0x9c: {  	s7 =	simm.s32 $0x0;
	s20 =	sshll.u32 s5, $0x1;
	s5 =	sadd.s32 s21, s3  }
0x9d: {  	[timem:s7], [sflag:s22] =	dma.local [hbm:s5], s20  }
0x9e: {  	_ =	swait.ge [sflag:s22], s20  }
0x9f: {  	s4 =	ssub.s32 $0x0, s20;
	[sflag:s22] =	ssyncset.done $0x0  }
0xa0: {  	[sflag:s22] =	ssyncadd.s32 s4;
	_ =	sdelay $0x1  }
0xa1: {  	s23 =	simm.s32 $0x1B8B  }
0xa2: {  	_ =	swait.ge [sflag:s23], $0x1  }
0xa3: {  	[sflag:s23] =	ssyncset.done $0x0  }
0xa4: {  	s25 =	simm.s32 $0x1B8E;
	s24 =	sld [smem:$0x3FFE];
	[sflag:s23] =	ssyncadd.s32 $0xFFFFFFFF  }
0xa5: {  	s26 =	simm.s32 $execute0_lowered;
	[smem:$0x3FD2] =	sst s25  }
0xa6: {  	s5 =	sshll.u32 s26, $0x1;
	_ =	strace $0x80000046;
	[dreg:$0x1] =	wrdreg $0xFFFFFFFF  }
0xa7: {  	s28 =	simm.s32 $_size_execute0_lowered;
	s3 =	sadd.s32 s3, s5;
	[dreg:$0x0] =	wrdreg $0x0  }
0xa8: {  	s5 =	sshll.u32 s28, $0x1;
	[dreg:$0x2] =	wrdreg s3  }
0xa9: {  	[dreg:$0x3] =	wrdreg s5  }
0xaa: {  	[dreg:$0x4] =	wrdreg $0xC0  }
0xab: {  	_ =	task [dreg:s7], $0x5FFFF  }
0xac: {  	[dreg:$0x1] =	wrdreg $0xFFFFFFFF  }
0xad: {  	[dreg:$0x0] =	wrdreg $0x60  }
0xae: {  	[dreg:$0x2] =	wrdreg s24  }
0xaf: {  	[dreg:$0x3] =	wrdreg s2  }
0xb0: {  	[dreg:$0x4] =	wrdreg $0x9  }
0xb1: {  	_ =	task.clear_ibuf [dreg:s7], $0x5FFFF;
	_ =	strace $0x90000046  }
0xb2: {  	s29 =	simm.s32 $0x9;
	_ =	strace $0x80000048  }
0xb3: {  	_ =	swait.ge [sflag:s29], $0x1  }
0xb4: {  	[sflag:s29] =	ssyncadd.s32 $0xFFFFFFFF  }
0xb5: {  	_ =	strace $0x90000048  }
0xb6: {  	_ =	sfence  }
0xb7: {  	s30 =	sld [smem:$0x0];
	_ =	sdelay $0x2  }
0xb8: {  	s31 =	sshll.u32 s1, $0xD;
	s1 =	sshrl.u32 s1, $0x2  }
0xb9: {  	s3 =	sand.u32 $0x4000, s31;
	s1 =	sadd.s32 s1, s30  }
0xba: {  	s0 =	sor.u32 s3, s0;
	s1 =	sshll.u32 s1, $0x11  }
0xbb: {  	s0 =	sor.u32 s1, s0  }
0xbc: {  	s0 =	sadd.s32 $0x8F2B, s0  }
0xbd: {  	[sflag:s0] =	ssyncadd.remote.s32 $0x1  }
0xbe: {  	_ =	sfence.sel $0xFFFF  }
0xbf: {  	[dreg:$0x0] =	wrdreg $0xFFFFFFFF;
	(pc) =	sbr.abs _section_cstart, $3  }
0xc0: {  	[dreg:$0x1] =	wrdreg $0xFFFFFFFF  }
0xc1: {  	_ =	task.clear_ibuf [dreg:s7], $0x2FFFF;
	_ =	strace $0x9FFFFFFF  }
0xc2: {  	(tm) =	ssettm $0x7FFFFFFF  }
0xc3: {  	_ =	shalt  }
tec
execute0_lowered:
.L_overlay_start_1:
0x0: {  	(tag) =	ssettag $0x1  }
0x1: {  	s0 =	rddreg [dreg:$0x0]  }
0x2: {  	s1 =	srdreg.scid;
	s8 =	stileid.u32  }
0x3: {  	s2 =	rddreg [dreg:$0x1];
	s3 =	simm.s32 $0x0;
	s11 =	simm.s32 $0x9  }
0x4: {  	s12 =	simm.s32 $0x80;
	s13 =	simm.s32 $0x680;
	s14 =	simm.s32 $0x3880  }
0x5: {  	s15 =	simm.s32 $0x48;
	s17 =	simm.s32 $0x7880;
	s19 =	simm.s32 $0x9C80  }
0x6: {  	s21 =	simm.s32 $0xDC80;
	s23 =	simm.s32 $0x10080;
	s28 =	simm.s32 $0x16480  }
0x7: {  	s30 =	simm.s32 $0x1A480;
	s31 =	simm.s32 $0x1;
	s16 =	simm.s32 $0x4  }
0x8: {  	s18 =	simm.s32 $0x5;
	s20 =	simm.s32 $0x6;
	s22 =	simm.s32 $0x7  }
0x9: {  	s1 =	sand.u32 $0x1, s1;
	s4 =	sshll.u32 s8, $0x1;
	s25 =	smul.u32 $0x64000, s8  }
0xa: {  	s4 =	sor.u32 s1, s4;
	s6 =	ssub.s32 $0x2, s1;
	s1 =	smul.u32 $0x32000, s1  }
0xb: {  	s24 =	simm.s32 $0x8;
	[smem:$0x7FF] =	sst s3;
	s5 =	smul.u32 $0xC8, s4  }
0xc: {  	_ =	strace $0x80000047;
	s4 =	smul.u32 $0x190000, s4;
	s7 =	sshrl.u32 s6, $0x1  }
0xd: {  	s9 =	ssub.s32 s6, s7;
	s5 =	sadd.s32 s5, s0;
	s0 =	sadd.s32 $0x2200, s0  }
0xe: {  	s4 =	sshrl.u32 s4, $0x3;
	s9 =	smax.u32 s9, $0x1;
	s5 =	sadd.s32 $0x800, s5  }
0xf: {  	s4 =	sadd.s32 s0, s4;
	s0 =	sadd.s32 s25, s0;
	s25 =	simm.s32 $0x14080  }
0x10: {  	[dreg:$0x3] =	wrdreg s5;
	s26 =	sadd.s32 $0x2EE00, s4;
	s29 =	sadd.s32 $0x2FA80, s4  }
0x11: {  	s7 =	sadd.s32 $0x30700, s4;
	s8 =	sadd.s32 $0x31380, s4;
	[dreg:$0x4] =	wrdreg s26  }
0x12: {  	v0 =	vlaneseq.u32;
	s0 =	sadd.s32 s1, s0;
	s1 =	simm.s32 $0x2;
	[dreg:$0x5] =	wrdreg s29  }
0x13: {  	v1 =	vand.u32 $0x7, v0;
	s10 =	sadd.s32 $0x2580, s0;
	s0 =	simm.s32 $0x3;
	s26 =	simm.s32 $0x0  }
.LBB2_1:
0x14: {  	v2 =	vor.u32 s3, v0  }
0x15: {  	s4 =	rddreg [dreg:$0x3];
	v2 =	vshrl.u32 v2, $0x3  }
0x16: {  	[tilespmem:s3], [sflag:$0x9] =	stream.linear.gather [hbm4b:s4+s3], $0x640, $0x38;
	[tilespmem:$0x1C880] =	vst v63  }
0x17: {  	_ =	swait.ge [sflag:s11], $0x640  }
0x18: {  	[sflag:s11] =	ssyncset.done $0x0  }
0x19: {  	[sflag:s11] =	ssyncadd.s32 $0xFFFFF9C0  }
0x1a: {  	v2 =	vld.idx.msk [tilespmem:v2+s3+$0x0], $0xffff  }
0x1b: {  	s5 =	simm.s32 $0x10  }
0x1c: {  	v3 =	vor.u32 s5, v0  }
0x1d: {  	v3 =	vshrl.u32 v3, $0x3;
	_ =	sdelay $0x1  }
0x1e: {  	v2 =	vshll.u32 v2, $0x3  }
0x1f: {  	v2 =	vor.u32 v1, v2  }
0x20: {  	[tilespmem:s13+$0x0] =	vst v2  }
0x21: {  	v2 =	vld.idx.msk [tilespmem:v3+s3+$0x0], $0xffff  }
0x22: {  	s6 =	simm.s32 $0x20  }
0x23: {  	s29 =	simm.s32 $0x30;
	s4 =	simm.s32 $0x680;
	v3 =	vor.u32 s6, v0  }
.LBB2_2:
0x24: {  	p0 =	sne.s32 s29, $0x31F0;
	v3 =	vshrl.u32 v3, $0x3;
	_ =	sdelay $0x1  }
0x25: {  	v2 =	vshll.u32 v2, $0x3  }
0x26: {  	s4 =	sadd.s32 $0x10, s4;
	v2 =	vor.u32 v1, v2  }
.Ltmp0:
0x27: {  	[tilespmem:s4+$0x0] =	vst v2;
	(pc) =	sbr.rel @p0 .LBB2_2-.Ltmp0, $2  }
0x28: {  	v2 =	vld.idx.msk [tilespmem:v3+s3+$0x0], $0xffff;
	_ =	sdelay $0x2  }
0x29: {  	v3 =	vor.u32 s29, v0;
	s29 =	sadd.s32 $0x10, s29  }
0x2a: {  	v3 =	vshrl.u32 v3, $0x3;
	_ =	sdelay $0x1  }
0x2b: {  	v2 =	vshll.u32 v2, $0x3  }
0x2c: {  	s4 =	sadd.s32 $0x10, s4;
	v2 =	vor.u32 v1, v2  }
0x2d: {  	[tilespmem:s4+$0x0] =	vst v2  }
0x2e: {  	v2 =	vld.idx.msk [tilespmem:v3+s3+$0x0], $0xffff;
	_ =	sdelay $0x4  }
0x2f: {  	v2 =	vshll.u32 v2, $0x3  }
0x30: {  	s4 =	sadd.s32 $0x10, s4;
	v2 =	vor.u32 v1, v2  }
0x31: {  	[tilespmem:s4+$0x0] =	vst v2  }
0x32: {  	[tilespmem:s14], [sflag:$0x1] =	stream.indirect.gather [hbm4b:s2+s12], $0x80, s13, s12, $0xb8;
	[tilespmem:$0x1C880] =	vst v63  }
0x33: {  	s6 =	simm.s32 $0x700  }
0x34: {  	[tilespmem:s17], [sflag:$0x1] =	stream.indirect.gather [hbm4b:s2+s15], $0x80, s6, s15, $0xb8;
	[tilespmem:$0x1C880] =	vst v63  }
0x35: {  	s5 =	simm.s32 $0x748  }
0x36: {  	[tilespmem:s19], [sflag:$0x2] =	stream.indirect.gather [hbm4b:s2+s12], $0x80, s5, s12, $0xb8;
	[tilespmem:$0x1C880] =	vst v63  }
0x37: {  	s6 =	simm.s32 $0x7C8  }
0x38: {  	[tilespmem:s21], [sflag:$0x2] =	stream.indirect.gather [hbm4b:s2+s15], $0x80, s6, s15, $0xb8;
	[tilespmem:$0x1C880] =	vst v63  }
0x39: {  	s5 =	simm.s32 $0x810  }
0x3a: {  	[tilespmem:s23], [sflag:$0x3] =	stream.indirect.gather [hbm4b:s2+s12], $0x80, s5, s12, $0xb8;
	[tilespmem:$0x1C880] =	vst v63  }
0x3b: {  	s6 =	simm.s32 $0x890  }
0x3c: {  	[tilespmem:s25], [sflag:$0x3] =	stream.indirect.gather [hbm4b:s2+s15], $0x80, s6, s15, $0xb8;
	[tilespmem:$0x1C880] =	vst v63  }
0x3d: {  	s5 =	simm.s32 $0x8D8  }
0x3e: {  	[tilespmem:s28], [sflag:$0x4] =	stream.indirect.gather [hbm4b:s2+s12], $0x80, s5, s12, $0xb8;
	[tilespmem:$0x1C880] =	vst v63  }
0x3f: {  	s6 =	simm.s32 $0x958  }
0x40: {  	[tilespmem:s30], [sflag:$0x4] =	stream.indirect.gather [hbm4b:s2+s15], $0x80, s6, s15, $0xb8;
	[tilespmem:$0x1C880] =	vst v63  }
0x41: {  	_ =	swait.ge [sflag:s31], $0x6400  }
0x42: {  	[sflag:s31] =	ssyncset.done $0x0  }
0x43: {  	s5 =	sadd.s32 $0xFFFFDA80, s10;
	[sflag:s31] =	ssyncadd.s32 $0xFFFF9C00  }
0x44: {  	[hbm4b:s5+s3] =	stream.linear.scatter [tilespmem:s14], [sflag:$0x5], $0x6400, $0x38;
	[tilespmem:$0x1C880] =	vst v63  }
0x45: {  	_ =	swait.ge [sflag:s1], $0x6400  }
0x46: {  	[sflag:s1] =	ssyncset.done $0x0  }
0x47: {  	s6 =	sadd.s32 $0xFFFFE700, s10;
	[sflag:s1] =	ssyncadd.s32 $0xFFFF9C00  }
0x48: {  	[hbm4b:s6+s3] =	stream.linear.scatter [tilespmem:s19], [sflag:$0x6], $0x6400, $0x38;
	[tilespmem:$0x1C880] =	vst v63  }
0x49: {  	_ =	swait.ge [sflag:s0], $0x6400  }
0x4a: {  	[sflag:s0] =	ssyncset.done $0x0  }
0x4b: {  	s5 =	sadd.s32 $0xFFFFF380, s10;
	[sflag:s0] =	ssyncadd.s32 $0xFFFF9C00  }
0x4c: {  	[hbm4b:s5+s3] =	stream.linear.scatter [tilespmem:s23], [sflag:$0x7], $0x6400, $0x38;
	[tilespmem:$0x1C880] =	vst v63  }
0x4d: {  	_ =	swait.ge [sflag:s16], $0x6400  }
0x4e: {  	[sflag:s16] =	ssyncset.done $0x0  }
0x4f: {  	[sflag:s16] =	ssyncadd.s32 $0xFFFF9C00  }
0x50: {  	[hbm4b:s10+s3] =	stream.linear.scatter [tilespmem:s28], [sflag:$0x8], $0x6400, $0x38;
	[tilespmem:$0x1C880] =	vst v63  }
0x51: {  	_ =	swait.ge [sflag:s18], $0x6400  }
0x52: {  	[sflag:s18] =	ssyncset.done $0x0  }
0x53: {  	s6 =	simm.s32 $0x9A0;
	[sflag:s18] =	ssyncadd.s32 $0xFFFF9C00  }
0x54: {  	[tilespmem:s14], [sflag:$0x1] =	stream.indirect.gather [hbm4b:s2+s12], $0x80, s6, s12, $0xb8;
	[tilespmem:$0x1C880] =	vst v63  }
0x55: {  	s5 =	simm.s32 $0xA20  }
0x56: {  	[tilespmem:s17], [sflag:$0x1] =	stream.indirect.gather [hbm4b:s2+s15], $0x80, s5, s15, $0xb8;
	[tilespmem:$0x1C880] =	vst v63  }
0x57: {  	_ =	swait.ge [sflag:s20], $0x6400  }
0x58: {  	[sflag:s20] =	ssyncset.done $0x0  }
0x59: {  	s6 =	simm.s32 $0xA68;
	[sflag:s20] =	ssyncadd.s32 $0xFFFF9C00  }
0x5a: {  	[tilespmem:s19], [sflag:$0x2] =	stream.indirect.gather [hbm4b:s2+s12], $0x80, s6, s12, $0xb8;
	[tilespmem:$0x1C880] =	vst v63  }
0x5b: {  	s5 =	simm.s32 $0xAE8  }
0x5c: {  	[tilespmem:s21], [sflag:$0x2] =	stream.indirect.gather [hbm4b:s2+s15], $0x80, s5, s15, $0xb8;
	[tilespmem:$0x1C880] =	vst v63  }
0x5d: {  	_ =	swait.ge [sflag:s22], $0x6400  }
0x5e: {  	[sflag:s22] =	ssyncset.done $0x0  }
0x5f: {  	s6 =	simm.s32 $0xB30;
	[sflag:s22] =	ssyncadd.s32 $0xFFFF9C00  }
0x60: {  	[tilespmem:s23], [sflag:$0x3] =	stream.indirect.gather [hbm4b:s2+s12], $0x80, s6, s12, $0xb8;
	[tilespmem:$0x1C880] =	vst v63  }
0x61: {  	s5 =	simm.s32 $0xBB0  }
0x62: {  	[tilespmem:s25], [sflag:$0x3] =	stream.indirect.gather [hbm4b:s2+s15], $0x80, s5, s15, $0xb8;
	[tilespmem:$0x1C880] =	vst v63  }
0x63: {  	_ =	swait.ge [sflag:s24], $0x6400  }
0x64: {  	s29 =	simm.s32 $0xC80;
	s4 =	sadd.s32 $0x3200, s10;
	[sflag:s24] =	ssyncset.done $0x0  }
0x65: {  	s6 =	simm.s32 $0xBF8;
	s5 =	simm.s32 $0xC78;
	[sflag:s24] =	ssyncadd.s32 $0xFFFF9C00  }
0x66: {  	[tilespmem:s28], [sflag:$0x4] =	stream.indirect.gather [hbm4b:s2+s12], $0x80, s6, s12, $0xb8;
	[tilespmem:$0x1C880] =	vst v63  }
.LBB2_4:
0x67: {  	[tilespmem:s30], [sflag:$0x4] =	stream.indirect.gather [hbm4b:s2+s15], $0x80, s5, s15, $0xb8;
	[tilespmem:$0x1C880] =	vst v63  }
0x68: {  	s5 =	smov.u32 s29  }
0x69: {  	p0 =	sne.s32 s29, $0xAF00;
	s29 =	sadd.s32 $0xC80, s29;
	_ =	swait.ge [sflag:s31], $0x6400  }
0x6a: {  	[sflag:s31] =	ssyncset.done $0x0  }
0x6b: {  	s6 =	sadd.s32 $0xFFFFDA80, s4;
	[sflag:s31] =	ssyncadd.s32 $0xFFFF9C00  }
0x6c: {  	[hbm4b:s6+s3] =	stream.linear.scatter [tilespmem:s14], [sflag:$0x5], $0x6400, $0x38;
	[tilespmem:$0x1C880] =	vst v63  }
0x6d: {  	_ =	swait.ge [sflag:s1], $0x6400  }
0x6e: {  	[sflag:s1] =	ssyncset.done $0x0  }
0x6f: {  	s6 =	sadd.s32 $0xFFFFE700, s4;
	[sflag:s1] =	ssyncadd.s32 $0xFFFF9C00  }
0x70: {  	[hbm4b:s6+s3] =	stream.linear.scatter [tilespmem:s19], [sflag:$0x6], $0x6400, $0x38;
	[tilespmem:$0x1C880] =	vst v63  }
0x71: {  	_ =	swait.ge [sflag:s0], $0x6400  }
0x72: {  	[sflag:s0] =	ssyncset.done $0x0  }
0x73: {  	s6 =	sadd.s32 $0xFFFFF380, s4;
	[sflag:s0] =	ssyncadd.s32 $0xFFFF9C00  }
0x74: {  	[hbm4b:s6+s3] =	stream.linear.scatter [tilespmem:s23], [sflag:$0x7], $0x6400, $0x38;
	[tilespmem:$0x1C880] =	vst v63  }
0x75: {  	_ =	swait.ge [sflag:s16], $0x6400  }
0x76: {  	[sflag:s16] =	ssyncset.done $0x0  }
0x77: {  	[sflag:s16] =	ssyncadd.s32 $0xFFFF9C00  }
0x78: {  	[hbm4b:s4+s3] =	stream.linear.scatter [tilespmem:s28], [sflag:$0x8], $0x6400, $0x38;
	[tilespmem:$0x1C880] =	vst v63  }
0x79: {  	_ =	swait.ge [sflag:s18], $0x6400  }
0x7a: {  	s5 =	sshra.s32 s5, $0x2;
	[sflag:s18] =	ssyncset.done $0x0  }
0x7b: {  	s6 =	sadd.s32 $0x9A0, s5;
	[sflag:s18] =	ssyncadd.s32 $0xFFFF9C00  }
0x7c: {  	[tilespmem:s14], [sflag:$0x1] =	stream.indirect.gather [hbm4b:s2+s12], $0x80, s6, s12, $0xb8;
	[tilespmem:$0x1C880] =	vst v63  }
0x7d: {  	s6 =	sadd.s32 $0xA20, s5  }
0x7e: {  	[tilespmem:s17], [sflag:$0x1] =	stream.indirect.gather [hbm4b:s2+s15], $0x80, s6, s15, $0xb8;
	[tilespmem:$0x1C880] =	vst v63  }
0x7f: {  	_ =	swait.ge [sflag:s20], $0x6400  }
0x80: {  	[sflag:s20] =	ssyncset.done $0x0  }
0x81: {  	s6 =	sadd.s32 $0xA68, s5;
	[sflag:s20] =	ssyncadd.s32 $0xFFFF9C00  }
0x82: {  	[tilespmem:s19], [sflag:$0x2] =	stream.indirect.gather [hbm4b:s2+s12], $0x80, s6, s12, $0xb8;
	[tilespmem:$0x1C880] =	vst v63  }
0x83: {  	s6 =	sadd.s32 $0xAE8, s5  }
0x84: {  	[tilespmem:s21], [sflag:$0x2] =	stream.indirect.gather [hbm4b:s2+s15], $0x80, s6, s15, $0xb8;
	[tilespmem:$0x1C880] =	vst v63  }
0x85: {  	_ =	swait.ge [sflag:s22], $0x6400  }
0x86: {  	[sflag:s22] =	ssyncset.done $0x0  }
0x87: {  	s6 =	sadd.s32 $0xB30, s5;
	[sflag:s22] =	ssyncadd.s32 $0xFFFF9C00  }
0x88: {  	[tilespmem:s23], [sflag:$0x3] =	stream.indirect.gather [hbm4b:s2+s12], $0x80, s6, s12, $0xb8;
	[tilespmem:$0x1C880] =	vst v63  }
0x89: {  	s6 =	sadd.s32 $0xBB0, s5  }
0x8a: {  	[tilespmem:s25], [sflag:$0x3] =	stream.indirect.gather [hbm4b:s2+s15], $0x80, s6, s15, $0xb8;
	[tilespmem:$0x1C880] =	vst v63  }
.Ltmp1:
0x8b: {  	_ =	swait.ge [sflag:s24], $0x6400;
	(pc) =	sbr.rel @p0 .LBB2_4-.Ltmp1, $4  }
0x8c: {  	[sflag:s24] =	ssyncset.done $0x0  }
0x8d: {  	s6 =	sadd.s32 $0xBF8, s5;
	[sflag:s24] =	ssyncadd.s32 $0xFFFF9C00  }
0x8e: {  	[tilespmem:s28], [sflag:$0x4] =	stream.indirect.gather [hbm4b:s2+s12], $0x80, s6, s12, $0xb8;
	[tilespmem:$0x1C880] =	vst v63  }
0x8f: {  	s4 =	sadd.s32 $0x3200, s4;
	s5 =	sadd.s32 $0xC78, s5  }
0x90: {  	[tilespmem:s30], [sflag:$0x4] =	stream.indirect.gather [hbm4b:s2+s15], $0x80, s5, s15, $0xb8;
	[tilespmem:$0x1C880] =	vst v63  }
0x91: {  	_ =	swait.ge [sflag:s31], $0x6400  }
0x92: {  	[sflag:s31] =	ssyncset.done $0x0  }
0x93: {  	s4 =	rddreg [dreg:$0x4];
	[sflag:s31] =	ssyncadd.s32 $0xFFFF9C00  }
0x94: {  	[hbm4b:s4+s3] =	stream.linear.scatter [tilespmem:s14], [sflag:$0x5], $0x6400, $0x38;
	[tilespmem:$0x1C880] =	vst v63  }
0x95: {  	_ =	swait.ge [sflag:s1], $0x6400  }
0x96: {  	[sflag:s1] =	ssyncset.done $0x0  }
0x97: {  	s29 =	rddreg [dreg:$0x5];
	[sflag:s1] =	ssyncadd.s32 $0xFFFF9C00  }
0x98: {  	[hbm4b:s29+s3] =	stream.linear.scatter [tilespmem:s19], [sflag:$0x6], $0x6400, $0x38;
	[tilespmem:$0x1C880] =	vst v63  }
0x99: {  	_ =	swait.ge [sflag:s0], $0x6400  }
0x9a: {  	[sflag:s0] =	ssyncset.done $0x0  }
0x9b: {  	[sflag:s0] =	ssyncadd.s32 $0xFFFF9C00  }
0x9c: {  	[hbm4b:s7+s3] =	stream.linear.scatter [tilespmem:s23], [sflag:$0x7], $0x6400, $0x38;
	[tilespmem:$0x1C880] =	vst v63  }
0x9d: {  	_ =	swait.ge [sflag:s16], $0x6400  }
0x9e: {  	[sflag:s16] =	ssyncset.done $0x0  }
0x9f: {  	[sflag:s16] =	ssyncadd.s32 $0xFFFF9C00  }
0xa0: {  	[hbm4b:s8+s3] =	stream.linear.scatter [tilespmem:s28], [sflag:$0x8], $0x6400, $0x38;
	[tilespmem:$0x1C880] =	vst v63  }
0xa1: {  	_ =	swait.ge [sflag:s18], $0x6400  }
0xa2: {  	[sflag:s18] =	ssyncset.done $0x0  }
0xa3: {  	[sflag:s18] =	ssyncadd.s32 $0xFFFF9C00  }
0xa4: {  	_ =	swait.ge [sflag:s20], $0x6400  }
0xa5: {  	[sflag:s20] =	ssyncset.done $0x0  }
0xa6: {  	s26 =	sadd.s32 $0x1, s26;
	[sflag:s20] =	ssyncadd.s32 $0xFFFF9C00  }
0xa7: {  	p0 =	sne.s32 s26, s9;
	_ =	swait.ge [sflag:s22], $0x6400  }
.Ltmp2:
0xa8: {  	[sflag:s22] =	ssyncset.done $0x0;
	(pc) =	sbr.rel @p0 .LBB2_1-.Ltmp2, $4  }
0xa9: {  	[sflag:s22] =	ssyncadd.s32 $0xFFFF9C00  }
0xaa: {  	_ =	swait.ge [sflag:s24], $0x6400  }
0xab: {  	[sflag:s24] =	ssyncset.done $0x0  }
0xac: {  	[sflag:s24] =	ssyncadd.s32 $0xFFFF9C00  }
0xad: {  	_ =	sfence.sel $0x180000  }
0xae: {  	[bflag:$0x0] =	sbarrier.arrive $0xFFFF  }
0xaf: {  	_ =	strace $0x90000047  }
0xb0: {  	s0 =	stileid.u32;
	[bflag:$0x2] =	sbarrier.arrive $0xFFFF  }
0xb1: {  	p0 =	sne.s32 s0, $0x0;
	s0 =	rddreg [dreg:$0x2]  }
0xb2: {  	s0 =	sadd.s32 @!p0 $0x100000, s0  }
0xb3: {  	[sflag:s0] =	ssyncadd.tile.s32 @!p0 $0x1;
	_ =	shalt  }
.Lfunc_end2:
_tile_overlayer_lowered:
.L_overlay_start_2:
0xb4: {  	(tag) =	ssettag $0x2  }
0xb5: {  	s0 =	rddreg [dreg:$0x0];
	s2 =	stileid.u32  }
0xb6: {  	s1 =	rddreg [dreg:$0x1];
	p0 =	sne.s32 s2, $0x0  }
0xb7: {  	s3 =	rddreg [dreg:$0x2];
	[bflag:$0x3] =	sbarrier.arrive $0xFFFF;
	s2 =	simm.s32 @!p0 $0x1C09  }
0xb8: {  	[timem:s3], [sflag:s2] =	dma.local @!p0 [hbm:s0], s1  }
0xb9: {  	s0 =	simm.s32 @!p0 $0x9  }
0xba: {  	_ =	swait.ge @!p0 [sflag:s0], s1  }
0xbb: {  	s1 =	ssub.s32 @!p0 $0x0, s1;
	[sflag:s0] =	ssyncset.done @!p0 $0x0  }
0xbc: {  	[sflag:s0] =	ssyncadd.s32 @!p0 s1  }
0xbd: {  	[bflag:$0x3] =	sbarrier.arrive $0xFFFF  }
0xbe: {  	_ =	shalt  }

// kernel: sparse-core-data-format-call.cloned.1.call-start
scs
called_computation_lowered:
.L_overlay_start_0:
0x0: {  	s2 =	sld [smem:$0x3FD9]  }
0x1: {  	s3 =	sld [smem:$0x3FFE];
	_ =	sdelay $0x1  }
0x2: {  	s1 =	srdreg.scid  }
0x3: {  	s0 =	sand.u32 $0x1, s1  }
0x4: {  	s18 =	sshll.u32 s0, $0xA;
	s2 =	sadd.s32 s3, s2  }
0x5: {  	s2 =	sadd.s32 s2, s18  }
0x6: {  	[smem:$0x3FC6] =	sst s2  }
0x7: {  	_ = 	snop  }
0x8: {  	s2 =	sld [smem:$0x3FD0];
	(tm) =	ssettm $0x1  }
0x9: {  	s19 =	sld [smem:$0x3FFB];
	_ =	sdelay $0x3  }
0xa: {  	_ =	strace s19  }
0xb: {  	s3 =	sld [smem:$0x3FFC];
	_ =	sdelay $0x3  }
0xc: {  	_ =	strace s3  }
0xd: {  	s3 =	sld [smem:$0x3FFD];
	_ =	sdelay $0x3  }
0xe: {  	_ =	strace s3  }
0xf: {  	_ =	strace $0x8FFFFFFF  }
0x10: {  	s20 =	sld [smem:$0x3FDB];
	_ =	sdelay $0x1  }
0x11: {  	s4 =	simm.s32 $_scs_section_size  }
0x12: {  	s5 =	simm.s32 $_size__tile_overlayer_lowered;
	s6 =	simm.s32 $_tile_overlayer_lowered  }
0x13: {  	s23 =	simm.s32 $0x1BFF;
	s22 =	sshll.u32 s6, $0x1;
	s3 =	sadd.s32 s4, s20  }
0x14: {  	s7 =	simm.s32 $0x0;
	s21 =	sshll.u32 s5, $0x1;
	s5 =	sadd.s32 s22, s3  }
0x15: {  	[timem:s7], [sflag:s23] =	dma.local [hbm:s5], s21  }
0x16: {  	_ =	swait.ge [sflag:s23], s21  }
0x17: {  	s4 =	ssub.s32 $0x0, s21;
	[sflag:s23] =	ssyncset.done $0x0  }
0x18: {  	[sflag:s23] =	ssyncadd.s32 s4;
	_ =	sdelay $0x1  }
0x19: {  	s24 =	simm.s32 $0x1B8B  }
0x1a: {  	_ =	swait.ge [sflag:s24], $0x1  }
0x1b: {  	[sflag:s24] =	ssyncset.done $0x0  }
0x1c: {  	s26 =	simm.s32 $0x1B8E;
	s25 =	sld [smem:$0x3FFE];
	[sflag:s24] =	ssyncadd.s32 $0xFFFFFFFF  }
0x1d: {  	s27 =	simm.s32 $execute0_lowered;
	[smem:$0x3FD2] =	sst s26  }
0x1e: {  	s5 =	sshll.u32 s27, $0x1;
	_ =	strace $0x80000049;
	[dreg:$0x1] =	wrdreg $0xFFFFFFFF  }
0x1f: {  	s28 =	simm.s32 $_size_execute0_lowered;
	s3 =	sadd.s32 s3, s5;
	[dreg:$0x0] =	wrdreg $0x0  }
0x20: {  	s5 =	sshll.u32 s28, $0x1;
	[dreg:$0x2] =	wrdreg s3  }
0x21: {  	[dreg:$0x3] =	wrdreg s5  }
0x22: {  	[dreg:$0x4] =	wrdreg $0xC0  }
0x23: {  	_ =	task [dreg:s7], $0x5FFFF  }
0x24: {  	[dreg:$0x1] =	wrdreg $0xFFFFFFFF  }
0x25: {  	[dreg:$0x0] =	wrdreg $0x60  }
0x26: {  	[dreg:$0x2] =	wrdreg s25  }
0x27: {  	[dreg:$0x3] =	wrdreg s2  }
0x28: {  	[dreg:$0x4] =	wrdreg $0x9  }
0x29: {  	_ =	task.clear_ibuf [dreg:s7], $0x5FFFF;
	_ =	strace $0x90000049  }
0x2a: {  	s29 =	simm.s32 $0x9;
	_ =	strace $0x8000004B  }
0x2b: {  	_ =	swait.ge [sflag:s29], $0x1  }
0x2c: {  	[sflag:s29] =	ssyncadd.s32 $0xFFFFFFFF  }
0x2d: {  	_ =	strace $0x9000004B  }
0x2e: {  	_ =	sfence  }
0x2f: {  	s30 =	sld [smem:$0x0];
	_ =	sdelay $0x2  }
0x30: {  	s31 =	sshll.u32 s1, $0xD;
	s1 =	sshrl.u32 s1, $0x2  }
0x31: {  	s3 =	sand.u32 $0x4000, s31;
	s1 =	sadd.s32 s1, s30  }
0x32: {  	s0 =	sor.u32 s3, s0;
	s1 =	sshll.u32 s1, $0x11  }
0x33: {  	s0 =	sor.u32 s1, s0  }
0x34: {  	s0 =	sadd.s32 $0x8F2B, s0  }
0x35: {  	[sflag:s0] =	ssyncadd.remote.s32 $0x1  }
0x36: {  	_ =	sfence.sel $0xFFFF  }
0x37: {  	[dreg:$0x0] =	wrdreg $0xFFFFFFFF;
	(pc) =	sbr.abs _section_cstart, $3  }
0x38: {  	[dreg:$0x1] =	wrdreg $0xFFFFFFFF  }
0x39: {  	_ =	task.clear_ibuf [dreg:s7], $0x2FFFF;
	_ =	strace $0x9FFFFFFF  }
0x3a: {  	(tm) =	ssettm $0x7FFFFFFF  }
0x3b: {  	_ =	shalt  }
tec
execute0_lowered:
.L_overlay_start_1:
0x0: {  	(tag) =	ssettag $0x1  }
0x1: {  	s4 =	rddreg [dreg:$0x0]  }
0x2: {  	s0 =	stileid.u32;
	s2 =	rddreg [dreg:$0x1]  }
0x3: {  	s7 =	srdreg.scid;
	s31 =	simm.s32 $0x2;
	s17 =	simm.s32 $0x0  }
0x4: {  	s9 =	simm.s32 $0x2000;
	s19 =	simm.s32 $0x0;
	s18 =	simm.s32 $0x0  }
0x5: {  	s10 =	simm.s32 $0x0;
	s11 =	simm.s32 $0x0;
	s1 =	sshll.u32 s0, $0x7  }
0x6: {  	s12 =	simm.s32 $0x0;
	s14 =	simm.s32 $0x0;
	s3 =	sand.u32 $0x380, s1  }
0x7: {  	s16 =	simm.s32 $0x0;
	s4 =	sadd.s32 $0x642200, s4;
	s5 =	ssub.s32 $0x400, s3  }
0x8: {  	s8 =	sshll.u32 s0, $0x4;
	s7 =	sshll.u32 s7, $0x8;
	s6 =	sand.u32 $0x380, s5  }
0x9: {  	s1 =	rddreg [dreg:$0x2];
	p0 =	sne.s32 s6, $0x0;
	s6 =	simm.s32 $0x1  }
.Ltmp0:
0xa: {  	s5 =	sshrl.u32 s5, $0xA;
	s6 =	simm.s32 @!p0 $0x0;
	(pc) =	sbr.rel .LBB1_1-.Ltmp0, $4  }
0xb: {  	_ =	strace $0x8000004A;
	s7 =	sor.u32 s8, s7;
	s6 =	sadd.s32 s6, s5  }
0xc: {  	s7 =	sand.u32 $0x180, s7;
	s5 =	simm.s32 $0x1;
	s6 =	smul.u32 $0x64, s6  }
0xd: {  	s15 =	smov.u32 s3;
	s13 =	smov.u32 s7;
	[sflag:s5] =	ssyncpa.u1 $0x0  }
0xe: {  	p0 =	por $0x0, $0x0;
	[sflag:s31] =	ssyncpa.u1 $0x0;
	s8 =	sor.u32 $0x1, s6  }
.LBB1_4:
0xf: {  	s25 =	sshll.u32 s10, $0xA;
	s24 =	sshra.s32 s24, $0x2;
	s26 =	sshll.u32 s12, $0x3  }
0x10: {  	p1 =	sgt.s32 s11, $0x31;
	s27 =	smov.u32 s11;
	s28 =	sshra.s32 s11, $0x1F  }
0x11: {  	p2 =	sgt.s32 s12, $0x380;
	s31 =	sshra.s32 s12, $0x1F;
	s25 =	sand.u32 $0xFFFFE000, s25  }
0x12: {  	s26 =	sand.u32 $0xFFFFFC00, s26;
	s27 =	simm.s32 @!p1 $0x31;
	s28 =	sand.u32 s28, s11  }
0x13: {  	[tilespmem:s22+$0x2040 ss:$0x81] =	vst.msk $0xffff, v4;
	s23 =	sadd.s32 s24, s23;
	s29 =	sadd.s32 s26, s25;
	s25 =	ssub.s32 s27, s28  }
0x14: {  	[tilespmem:s22+$0x2850 ss:$0x81] =	vst.msk $0xffff, v3;
	s27 =	smov.u32 s12;
	s28 =	smov.u32 s10;
	s26 =	sand.u32 s31, s12  }
0x15: {  	[tilespmem:s22+$0x3060 ss:$0x81] =	vst.msk $0xffff, v2;
	s24 =	sshrl.u32 s29, $0xA;
	s30 =	sadd.s32 $0xFFFFFFCF, s25;
	s27 =	simm.s32 @!p2 $0x380  }
0x16: {  	v5 =	vld [tilespmem:s21+$0xFFFFFFD0];
	[tilespmem:s22+$0x0 ss:$0x81] =	vst.msk $0xffff, v1;
	p2 =	sgt.s32 s10, $0x368;
	s29 =	sshra.s32 s10, $0x1F;
	s22 =	ssub.s32 $0x32, s25  }
0x17: {  	v58 =	vld [tilespmem:s21+$0xFFFFFFE0];
	p1 =	sgt.s32 s30, $0x0;
	s28 =	simm.s32 @!p2 $0x368;
	s29 =	sand.u32 s29, s10  }
0x18: {  	v59 =	vld [tilespmem:s21+$0xFFFFFFF0];
	s26 =	ssub.s32 s27, s26;
	s27 =	smulhi.u32 $0x418938, s24;
	s28 =	ssub.s32 s28, s29  }
0x19: {  	v60 =	vld [tilespmem:s21+$0x0];
	s30 =	sadd.s32 $0xFFFFFC80, s26;
	s25 =	ssub.s32 $0x400, s26;
	s22 =	simm.s32 @p1 $0x0  }
0x1a: {  	v61 =	vld [tilespmem:s21+$0x10];
	[tilespmem:s23+$0x3870 ss:$0x81] =	vst.msk $0xffff, v0;
	s29 =	sand.u32 $0x78, s12;
	p2 =	sgt.s32 s30, $0x7F;
	s31 =	sadd.s32 $0xFFFFFC98, s28  }
0x1b: {  	v62 =	vld [tilespmem:s21+$0x20];
	[tilespmem:s23+$0x810 ss:$0x81] =	vst.msk $0xffff, v5;
	s27 =	smul.u32 $0x3E8, s27;
	s30 =	sshll.u32 s10, $0x7;
	s28 =	ssub.s32 $0x3E8, s28  }
0x1c: {  	v63 =	vld [tilespmem:s21+$0xFFFFFFC0];
	[tilespmem:s23+$0x1020 ss:$0x81] =	vst.msk $0xffff, v58;
	s25 =	simm.s32 @p2 $0x0;
	p1 =	sgt.s32 s31, $0x7F;
	s31 =	smul.u32 $0x1F400, s11  }
0x1d: {  	[tilespmem:s23+$0x1830 ss:$0x81] =	vst.msk $0xffff, v59;
	s21 =	sand.u32 $0x380, s30;
	s22 =	smul.u32 s25, s22;
	s28 =	simm.s32 @p1 $0x0  }
0x1e: {  	[tilespmem:s23+$0x2040 ss:$0x81] =	vst.msk $0xffff, v60;
	s21 =	sor.u32 s29, s21;
	s24 =	ssub.s32 s24, s27;
	s29 =	sand.u32 $0x7, s12  }
0x1f: {  	[tilespmem:s23+$0x2850 ss:$0x81] =	vst.msk $0xffff, v61;
	s21 =	sshrl.u32 s21, $0x3;
	s25 =	sadd.s32 s2, s31;
	s22 =	smul.u32 s28, s22  }
0x20: {  	[tilespmem:s23+$0x3060 ss:$0x81] =	vst.msk $0xffff, v62;
	s24 =	sshll.u32 s24, $0x7;
	s30 =	sshll.u32 s29, $0x12;
	s21 =	sadd.s32 s21, s25  }
0x21: {  	[tilespmem:s23+$0x0 ss:$0x81] =	vst.msk $0xffff, v63;
	s31 =	sor.u32 $0x400, s30;
	s21 =	sadd.s32 s24, s21;
	s22 =	sand.u32 $0x3FFFFFFF, s22  }
0x22: {  	[hbm4b:s21+s31] =	stream.strided.scatter [tilespmem:s20], [sflag:$0x2], s22, s9, s31, $0x20;
	[tilespmem:$0x10100] =	vst v63  }
.LBB1_5:
0x23: {  	p1 =	slt.u32 s16, $0x2  }
0x24: {  	p2 =	sgt.s32 @!p1 s19, $0x31  }
0x25: {  	s20 =	smov.u32 s19;
	s21 =	sshra.s32 @!p1 s19, $0x1F;
	p2 =	por !p2, p1  }
0x26: {  	s19 =	sand.u32 @!p1 s21, s19;
	s20 =	simm.s32 @p2 $0x31  }
0x27: {  	p3 =	sgt.s32 @!p1 s17, $0x368;
	s19 =	ssub.s32 @!p1 s20, s19  }
0x28: {  	p4 =	sgt.s32 @!p1 s18, $0x380;
	s22 =	sshra.s32 @!p1 s18, $0x1F;
	s20 =	sadd.s32 @!p1 $0xFFFFFFCF, s19  }
0x29: {  	s21 =	smov.u32 s17;
	p2 =	sgt.s32 @!p1 s20, $0x0;
	s20 =	sshra.s32 @!p1 s17, $0x1F  }
0x2a: {  	p4 =	por !p4, p1;
	s17 =	sand.u32 @!p1 s20, s17;
	s20 =	smov.u32 s18  }
0x2b: {  	p3 =	por !p3, p1;
	s18 =	sand.u32 @!p1 s22, s18;
	s20 =	simm.s32 @p4 $0x380  }
0x2c: {  	s21 =	simm.s32 @p3 $0x368;
	s19 =	ssub.s32 @!p1 $0x32, s19;
	s18 =	ssub.s32 @!p1 s20, s18  }
0x2d: {  	p2 =	por !p2, p1;
	s17 =	ssub.s32 @!p1 s21, s17;
	s21 =	sadd.s32 @!p1 $0xFFFFFC80, s18  }
0x2e: {  	s19 =	simm.s32 @!p2 $0x0;
	p3 =	sgt.s32 @!p1 s21, $0x7F  }
0x2f: {  	s20 =	sadd.s32 @!p1 $0xFFFFFC98, s17;
	s18 =	ssub.s32 @!p1 $0x400, s18;
	p3 =	por !p3, p1  }
0x30: {  	p2 =	sgt.s32 @!p1 s20, $0x7F;
	s20 =	sadd.s32 $0x200, s13;
	s18 =	simm.s32 @!p3 $0x0  }
0x31: {  	p3 =	sgt.s32 s20, $0x3E7;
	s18 =	smul.u32 @!p1 s18, s19;
	s19 =	simm.s32 $0x1  }
0x32: {  	s17 =	ssub.s32 @!p1 $0x3E8, s17;
	p2 =	por !p2, p1;
	s19 =	simm.s32 @!p3 $0x0  }
0x33: {  	s22 =	smov.u32 s15;
	s17 =	simm.s32 @!p2 $0x0;
	s21 =	sadd.s32 s19, s14  }
0x34: {  	s17 =	smul.u32 @!p1 s17, s18;
	s18 =	sadd.s32 $0x400, s15;
	p2 =	sgt.s32 s21, $0x31  }
0x35: {  	p0 =	por !p0, !p0;
	s23 =	simm.s32 @!p1 $0x2;
	s22 =	smov.u32 @p2 s18  }
0x36: {  	s20 =	smov.u32 @p3 s7;
	s21 =	simm.s32 @p2 $0x0;
	p2 =	sgt.s32 s22, $0x3FF  }
0x37: {  	s19 =	smov.u32 s11;
	s22 =	smov.u32 @p2 s3;
	p2 =	sne.s32 s16, s8  }
.Ltmp1:
0x38: {  	s11 =	smov.u32 s14;
	s17 =	sand.u32 @!p1 $0x3FFFFFFF, s17;
	(pc) =	sbr.rel @!p2 .LBB1_6-.Ltmp1, $4  }
0x39: {  	s18 =	smov.u32 s12;
	s12 =	smov.u32 s15;
	_ =	swait.ge @!p1 [sflag:s23], s17  }
0x3a: {  	s24 =	ssub.s32 @!p1 $0x0, s17;
	s17 =	smov.u32 s10;
	s10 =	smov.u32 s13  }
0x3b: {  	s13 =	smov.u32 s20;
	s14 =	smov.u32 s21;
	[sflag:s23] =	ssyncset.done @!p1 $0x0  }
0x3c: {  	s16 =	sadd.s32 $0x1, s16;
	[sflag:s23] =	ssyncadd.s32 @!p1 s24;
	s15 =	smov.u32 s22  }
.LBB1_1:
0x3d: {  	p1 =	sge.u32 s16, s6  }
0x3e: {  	s20 =	sshll.u32 @!p1 s14, $0xA  }
0x3f: {  	s21 =	sshll.u32 @!p1 s13, $0x3;
	s20 =	sand.u32 @!p1 $0xFFFFE000, s20  }
0x40: {  	s20 =	sadd.s32 @!p1 s20, s21  }
0x41: {  	s20 =	sshrl.u32 @!p1 s20, $0xA  }
0x42: {  	s21 =	smulhi.u32 @!p1 $0x4924925, s20  }
0x43: {  	s22 =	sshll.u32 @!p1 s14, $0x7;
	s24 =	smul.u32 @!p1 $0x1C00, s15  }
0x44: {  	s23 =	sand.u32 @!p1 $0x78, s13;
	s22 =	sand.u32 @!p1 $0x380, s22;
	s21 =	smul.u32 @!p1 $0x38, s21  }
0x45: {  	s31 =	sadd.s32 $0xFFFFFFFF, s16;
	s22 =	sor.u32 @!p1 s23, s22;
	s23 =	sadd.s32 @!p1 s4, s24  }
0x46: {  	s22 =	sshrl.u32 @!p1 s22, $0x3;
	s20 =	ssub.s32 @!p1 s20, s21;
	s21 =	sxor.u32 @!p1 $0xFFFFFFFF, s16  }
0x47: {  	s22 =	sadd.s32 @!p1 s22, s23;
	s23 =	sand.u32 @!p1 $0x7, s13;
	s21 =	sshll.u32 @!p1 s21, $0xE  }
0x48: {  	s23 =	sshll.u32 @!p1 s23, $0x12;
	s20 =	sshll.u32 @!p1 s20, $0x7;
	s21 =	sand.u32 @!p1 $0x4000, s21  }
0x49: {  	s20 =	sadd.s32 @!p1 s20, s22;
	s22 =	sor.u32 @!p1 $0x80, s23;
	s23 =	simm.s32 @!p1 $0xE000  }
0x4a: {  	[tilespmem:s21], [sflag:$0x1] =	stream.strided.gather @!p1 [hbm4b:s20+s22], $0x4000, s23, s22, $0x38;
	[tilespmem:$0x10100] =	vst v63  }
0x4b: {  	p1 =	sge.u32 s31, s6  }
.Ltmp2:
0x4c: {  	_ = 	snop;
	(pc) =	sbr.rel @p1 .LBB1_5-.Ltmp2, $1  }
0x4d: {  	_ =	sdelay $0x3  }
0x4e: {  	s20 =	simm.s32 $0x1  }
0x4f: {  	_ =	swait.ge [sflag:s5], $0x4000;
	s20 =	simm.s32 @!p0 $0x0  }
0x50: {  	[sflag:s5] =	ssyncset.done $0x0;
	s21 =	sshll.u32 s20, $0xE  }
0x51: {  	[sflag:s5] =	ssyncadd.s32 $0xFFFFC000;
	s21 =	sor.u32 $0x40, s21  }
0x52: {  	s20 =	smul.u32 $0x10200, s20;
	v0 =	vld [tilespmem:s21+$0x30]  }
0x53: {  	v1 =	vld [tilespmem:s21+$0xFFFFFFD0]  }
0x54: {  	s20 =	sshrl.u32 s20, $0x2;
	v5 =	vld [tilespmem:s21+$0xFFFFFFE0]  }
0x55: {  	v6 =	vld [tilespmem:s21+$0xFFFFFFF0];
	s23 =	sor.u32 $0x8000, s20  }
0x56: {  	s31 =	sand.u32 $0x1, s16;
	v4 =	vld [tilespmem:s21+$0x0];
	s22 =	sadd.s32 $0x0, s23  }
0x57: {  	v3 =	vld [tilespmem:s21+$0x10];
	s20 =	smul.u32 $0x10200, s31;
	[tilespmem:s22+$0x3870 ss:$0x81] =	vst.msk $0xffff, v0  }
0x58: {  	v2 =	vld [tilespmem:s21+$0x20];
	[tilespmem:s22+$0x810 ss:$0x81] =	vst.msk $0xffff, v1  }
0x59: {  	s20 =	sshrl.u32 s20, $0x2;
	v1 =	vld [tilespmem:s21+$0xFFFFFFC0];
	[tilespmem:s22+$0x1020 ss:$0x81] =	vst.msk $0xffff, v5;
	s21 =	sadd.s32 $0x80, s21  }
0x5a: {  	s24 =	simm.s32 $0x4;
	s25 =	simm.s32 $0x8;
	s20 =	sor.u32 $0x8000, s20;
	[tilespmem:s22+$0x1830 ss:$0x81] =	vst.msk $0xffff, v6;
	v0 =	vld [tilespmem:s21+$0x30]  }
.LBB1_3:
0x5b: {  	p1 =	sne.s32 s25, $0x1FC;
	v5 =	vld [tilespmem:s21+$0xFFFFFFD0];
	[tilespmem:s22+$0x2040 ss:$0x81] =	vst.msk $0xffff, v4  }
0x5c: {  	v6 =	vld [tilespmem:s21+$0xFFFFFFE0];
	[tilespmem:s22+$0x2850 ss:$0x81] =	vst.msk $0xffff, v3  }
0x5d: {  	s26 =	sshra.s32 s24, $0x2;
	s24 =	smov.u32 s25;
	v7 =	vld [tilespmem:s21+$0xFFFFFFF0];
	[tilespmem:s22+$0x3060 ss:$0x81] =	vst.msk $0xffff, v2  }
.Ltmp3:
0x5e: {  	v4 =	vld [tilespmem:s21+$0x0];
	[tilespmem:s22+$0x0 ss:$0x81] =	vst.msk $0xffff, v1;
	s22 =	sadd.s32 s26, s23;
	(pc) =	sbr.rel @p1 .LBB1_3-.Ltmp3, $4  }
0x5f: {  	v3 =	vld [tilespmem:s21+$0x10];
	[tilespmem:s22+$0x3870 ss:$0x81] =	vst.msk $0xffff, v0  }
0x60: {  	[tilespmem:s22+$0x810 ss:$0x81] =	vst.msk $0xffff, v5;
	v2 =	vld [tilespmem:s21+$0x20]  }
0x61: {  	v1 =	vld [tilespmem:s21+$0xFFFFFFC0];
	[tilespmem:s22+$0x1020 ss:$0x81] =	vst.msk $0xffff, v6;
	s21 =	sadd.s32 $0x80, s21  }
0x62: {  	s25 =	sadd.s32 $0x4, s25;
	v0 =	vld [tilespmem:s21+$0x30];
	[tilespmem:s22+$0x1830 ss:$0x81] =	vst.msk $0xffff, v7  }
.Ltmp4:
0x63: {  	_ = 	snop;
	(pc) =	sbr.rel .LBB1_4-.Ltmp4, $1  }
0x64: {  	_ =	sdelay $0x3  }
.LBB1_6:
0x65: {  	_ =	sfence.sel $0x180000  }
0x66: {  	s2 =	simm.s32 $0x1;
	[bflag:$0x0] =	sbarrier.arrive $0xFFFF  }
0x67: {  	s31 =	simm.s32 $0x2;
	[sflag:s2] =	ssyncpa.u1 $0x1  }
0x68: {  	[sflag:s31] =	ssyncpa.u1 $0x1  }
0x69: {  	p0 =	sne.s32 s0, $0x0;
	_ =	strace $0x9000004A  }
0x6a: {  	s0 =	sadd.s32 @!p0 $0x100000, s1;
	[bflag:$0x2] =	sbarrier.arrive $0xFFFF  }
0x6b: {  	[sflag:s0] =	ssyncadd.tile.s32 @!p0 $0x1;
	_ =	shalt  }
.Lfunc_end1:
_tile_overlayer_lowered:
.L_overlay_start_2:
0x6c: {  	(tag) =	ssettag $0x2  }
0x6d: {  	s0 =	rddreg [dreg:$0x0];
	s2 =	stileid.u32  }
0x6e: {  	s1 =	rddreg [dreg:$0x1];
	p0 =	sne.s32 s2, $0x0  }
0x6f: {  	s3 =	rddreg [dreg:$0x2];
	[bflag:$0x3] =	sbarrier.arrive $0xFFFF;
	s2 =	simm.s32 @!p0 $0x1C01  }
0x70: {  	[timem:s3], [sflag:s2] =	dma.local @!p0 [hbm:s0], s1  }
0x71: {  	s0 =	simm.s32 @!p0 $0x1  }
0x72: {  	_ =	swait.ge @!p0 [sflag:s0], s1  }
0x73: {  	s1 =	ssub.s32 @!p0 $0x0, s1;
	[sflag:s0] =	ssyncset.done @!p0 $0x0  }
0x74: {  	[sflag:s0] =	ssyncadd.s32 @!p0 s1  }
0x75: {  	[bflag:$0x3] =	sbarrier.arrive $0xFFFF  }
0x76: {  	_ =	shalt  }

</sc_bundles>
